<compile_context>
chip_gen: v7x
topology: tpu7x:2x2x1
jax: 0.10.2.dev20260603
libtpu: 0.0.44.dev20260713+nightly
codegen_flags: <defaults>
</compile_context>

<pallas_src>
import functools

import jax
import jax.numpy as jnp
from jax import lax
from jax.experimental import pallas as pl
from jax.experimental.pallas import tpu as pltpu
from jax.experimental.pallas import tpu_sc as plsc

_EMB = 128
_BB = 32

_NC, _NS = 2, 16
_NW = _NC * _NS



_SLAB = 2


def _zeros_body(out_ref, buf, sem):
    wid = lax.axis_index("s") * _NC + lax.axis_index("c")
    bsz, r, emb = out_ref.shape
    per_w = bsz // _NW
    n_copies = per_w // _SLAB
    base = wid * per_w
    zeros16 = jnp.zeros((16,), jnp.float32)

    def _zb(i, _):
        bi = i // r
        ji = i % r
        for k in range(emb // 16):
            buf[bi, ji, pl.ds(k * 16, 16)] = zeros16
        return 0

    lax.fori_loop(0, _SLAB * r, _zb, 0)
    handles = [
        pltpu.async_copy(buf, out_ref.at[pl.ds(base + t * _SLAB, _SLAB)], sem)
        for t in range(n_copies)
    ]
    for h in handles:
        h.wait()


def _tc_body(dmat_in_ref, rand_ref, caps_ref, w_ref, b_ref, dmat_out_ref,
             col_ref, caps_out_ref):
    del dmat_in_ref, dmat_out_ref
    bb, c = rand_ref.shape
    k_sub = lax.broadcasted_iota(jnp.int32, (c, c), 0)
    j_lane = lax.broadcasted_iota(jnp.int32, (c, c), 1)
    tri = k_sub < j_lane
    n_sub = k_sub
    r_all = rand_ref[...]
    rt_all = jnp.transpose(r_all)
    for i in range(bb):
        rj = r_all[i:i + 1, :]
        rk = rt_all[:, i:i + 1]
        before = (rk < rj) | ((rk == rj) & tri)
        rank = jnp.sum(before.astype(jnp.int32), axis=0, keepdims=True)
        col_ref[i] = (n_sub == rank).astype(jnp.float32)
    acc = lax.dot_general(
        caps_ref[...], w_ref[...], (((1,), (1,)), ((), ())),
        preferred_element_type=jnp.float32,
        precision=lax.Precision.HIGHEST,
    )
    caps_out_ref[...] = acc + b_ref[...]


def kernel(cost_matrix, node_capacities, W, b):
    bsz, r, c = cost_matrix.shape
    m = node_capacities.shape[1]
    rand = jax.random.uniform(jax.random.key(42), (bsz, c))
    b2 = b.reshape(1, r)

    mesh = plsc.VectorSubcoreMesh(core_axis_name="c", subcore_axis_name="s")
    sc_zeros = functools.partial(
        pl.kernel,
        mesh=mesh,
        out_type=jax.ShapeDtypeStruct((bsz, r, _EMB), jnp.float32),
        scratch_types=[
            pltpu.VMEM((_SLAB, r, _EMB), jnp.float32),
            pltpu.SemaphoreType.DMA,
        ],
        compiler_params=pltpu.CompilerParams(use_tc_tiling_on_sc=True),
    )(_zeros_body)
    row_emb = sc_zeros()

    grid = bsz // _BB
    dmat, col_emb, caps_out = pl.pallas_call(
        _tc_body,
        grid=(grid,),
        in_specs=[
            pl.BlockSpec(memory_space=pl.ANY),
            pl.BlockSpec((_BB, c), lambda i: (i, 0)),
            pl.BlockSpec((_BB, m), lambda i: (i, 0)),
            pl.BlockSpec((r, m), lambda i: (0, 0)),
            pl.BlockSpec((1, r), lambda i: (0, 0)),
        ],
        out_specs=[
            pl.BlockSpec(memory_space=pl.ANY),
            pl.BlockSpec((_BB, c, _EMB), lambda i: (i, 0, 0)),
            pl.BlockSpec((_BB, r), lambda i: (i, 0)),
        ],
        out_shape=[
            jax.ShapeDtypeStruct((bsz, r, c), cost_matrix.dtype),
            jax.ShapeDtypeStruct((bsz, c, _EMB), cost_matrix.dtype),
            jax.ShapeDtypeStruct((bsz, r), jnp.float32),
        ],
        input_output_aliases={0: 0},
    )(cost_matrix, rand, node_capacities, W, b2)
    return (row_emb, col_emb, dmat, caps_out)

# --- scband reference (transcript-rebuilt; emitter-appended) ---
"""Pipeline reference for scband-mat-net-caps-init-embedding-53635551592530 (READ-ONLY COPY).

The authoritative reference and input builder live on the scoring server;
editing this copy changes nothing except your own understanding.
"""

import jax, jax.numpy as jnp
import numpy as np

EMB = 128

def setup_inputs(seed: int = 0) -> dict:
    key = jax.random.key(seed)
    k1, k2, k3, k4 = jax.random.split(key, 4)
    B, R, C, M = 1024, 256, 128, 64
    cost_matrix = jax.random.uniform(k1, (B, R, C), dtype=jnp.float32)
    node_capacities = jax.random.uniform(k2, (B, M), dtype=jnp.float32)
    # Linear(m -> r) params (torch creates a fresh Linear inside forward; we materialize it deterministically)
    bound = 1.0 / np.sqrt(M)
    W = jax.random.uniform(k3, (R, M), dtype=jnp.float32, minval=-bound, maxval=bound)
    b = jax.random.uniform(k4, (R,), dtype=jnp.float32, minval=-bound, maxval=bound)
    return {"cost_matrix": cost_matrix, "node_capacities": node_capacities, "W": W, "b": b}

def reference(cost_matrix, node_capacities, W, b):
    dmat = cost_matrix
    caps = node_capacities
    bsz, r, c = dmat.shape
    row_emb = jnp.zeros((bsz, r, EMB), dtype=dmat.dtype)
    # RandomOneHot mode: scatter a random permutation one-hot into col_emb
    key = jax.random.key(42)
    rand = jax.random.uniform(key, (bsz, c))
    rand_idx = jnp.argsort(rand, axis=1)
    col_emb = jnp.zeros((bsz, c, EMB), dtype=dmat.dtype)
    b_idx = jnp.broadcast_to(jnp.arange(bsz)[:, None], (bsz, c))
    n_idx = jnp.broadcast_to(jnp.arange(c)[None, :], (bsz, c))
    col_emb = col_emb.at[b_idx, n_idx, rand_idx].set(1.0)
    caps_float = caps.astype(jnp.float32)
    caps_out = caps_float @ W.T + b
    return (row_emb, col_emb, dmat, caps_out)

if __name__ == "__main__":
    import jax
    _d = setup_inputs()
    print(jax.jit(kernel)(*tuple(_d.values())))

</pallas_src>

<mosaic_0001>
#map = affine_map<(d0, d1) -> (0, 0, 0)>
module attributes {stable_mosaic.version = 14 : i64} {
  func.func @_zeros_body(%arg0: i32, %arg1: i32, %arg2: memref<1024x256x128xf32, #tpu.memory_space<hbm>>, %arg3: memref<2x256x128xf32, #tpu.memory_space<vmem>>, %arg4: memref<!tpu.dma_semaphore, #tpu.memory_space<semaphore_mem>>) attributes {dimension_semantics = [#tpu.dimension_semantics<core_parallel>, #tpu.dimension_semantics<subcore_parallel>], iteration_bounds = array<i64: 2, 16>, scalar_prefetch = 0 : i64, scratch_operands = 2 : i64, tpu.core_type = #tpu.core_type<sc_vector_subcore>, window_params = [{transform_indices = #map}]} {
    %mul3A = arith.constant 2 : i32
    %mul3A_0 = arith.muli %arg1, %mul3A : i32
    %add3A = arith.addi %mul3A_0, %arg0 : i32
    %mul3A_1 = arith.constant 32 : i32
    %mul3A_2 = arith.muli %add3A, %mul3A_1 : i32
    %broadcast_in_dim3A = arith.constant 0.000000e+00 : f32
    %broadcast_in_dim3A_3 = vector.broadcast %broadcast_in_dim3A : f32 to vector<16xf32>
    %scan3A = arith.constant 0 : i32
    %scan3A_4 = arith.constant 0 : i32
    %scan3A_5 = arith.constant 512 : i32
    %scan3A_6 = arith.addi %scan3A_4, %scan3A_5 : i32
    %scan3A_7 = arith.constant 1 : i32
    %scan3A_8 = scf.for %scan3A_232 = %scan3A_4 to %scan3A_6 step %scan3A_7 iter_args(%scan3A_233 = %scan3A) -> (i32)  : i32 {
      %jit3A = arith.constant 256 : i32
      %div3A = arith.divsi %scan3A_232, %jit3A : i32
      %sign3A = arith.constant 0 : i32
      %sign3A_234 = arith.cmpi sgt, %scan3A_232, %sign3A : i32
      %sign3A_235 = arith.extui %sign3A_234 : i1 to i32
      %sign3A_236 = arith.constant 0 : i32
      %sign3A_237 = arith.cmpi slt, %scan3A_232, %sign3A_236 : i32
      %sign3A_238 = arith.extui %sign3A_237 : i1 to i32
      %sign3A_239 = arith.subi %sign3A_235, %sign3A_238 : i32
      %sign3A_240 = arith.constant 0 : i32
      %sign3A_241 = arith.cmpi sgt, %jit3A, %sign3A_240 : i32
      %sign3A_242 = arith.extui %sign3A_241 : i1 to i32
      %sign3A_243 = arith.constant 0 : i32
      %sign3A_244 = arith.cmpi slt, %jit3A, %sign3A_243 : i32
      %sign3A_245 = arith.extui %sign3A_244 : i1 to i32
      %sign3A_246 = arith.subi %sign3A_242, %sign3A_245 : i32
      %ne3A = arith.cmpi ne, %sign3A_239, %sign3A_246 : i32
      %rem3A = arith.remsi %scan3A_232, %jit3A : i32
      %ne3A_247 = arith.constant 0 : i32
      %ne3A_248 = arith.cmpi ne, %rem3A, %ne3A_247 : i32
      %and3A = arith.andi %ne3A, %ne3A_248 : i1
      %sub3A = arith.constant 1 : i32
      %sub3A_249 = arith.subi %div3A, %sub3A : i32
      %select_n3A = arith.select %and3A, %sub3A_249, %div3A : i32
      %jit3A_250 = arith.constant 256 : i32
      %eq3A = arith.constant 0 : i32
      %eq3A_251 = arith.cmpi eq, %jit3A_250, %eq3A : i32
      %jit3A_252 = arith.constant 1 : i32
      %select_n3A_253 = arith.select %eq3A_251, %jit3A_252, %jit3A_250 : i32
      %rem3A_254 = arith.remsi %scan3A_232, %select_n3A_253 : i32
      %ne3A_255 = arith.constant 0 : i32
      %ne3A_256 = arith.cmpi ne, %rem3A_254, %ne3A_255 : i32
      %lt3A = arith.constant 0 : i32
      %lt3A_257 = arith.cmpi slt, %rem3A_254, %lt3A : i32
      %lt3A_258 = arith.constant 0 : i32
      %lt3A_259 = arith.cmpi slt, %select_n3A_253, %lt3A_258 : i32
      %ne3A_260 = arith.xori %lt3A_257, %lt3A_259 : i1
      %and3A_261 = arith.andi %ne3A_260, %ne3A_256 : i1
      %add3A_262 = arith.addi %rem3A_254, %select_n3A_253 : i32
      %select_n3A_263 = arith.select %and3A_261, %add3A_262, %rem3A_254 : i32
      %swap3A = arith.index_cast %select_n3A : i32 to index
      %swap3A_264 = arith.index_cast %select_n3A_263 : i32 to index
      %swap3A_265 = arith.constant 0 : index
      %swap3A_266 = tpu.vector_load %arg3[%swap3A, %swap3A_264, %swap3A_265] {strides = array<i32>} : memref<2x256x128xf32, #tpu.memory_space<vmem>>, vector<1x1x16xf32>,
      %swap3A_267 = vector.shape_cast %swap3A_266 : vector<1x1x16xf32> to vector<16xf32>
      %swap3A_268 = vector.shape_cast %broadcast_in_dim3A_3 : vector<16xf32> to vector<1x1x16xf32>
      tpu.vector_store %arg3[%swap3A, %swap3A_264, %swap3A_265], %swap3A_268 {strides = array<i32>} : memref<2x256x128xf32, #tpu.memory_space<vmem>>, vector<1x1x16xf32>,
      %swap3A_269 = arith.index_cast %select_n3A : i32 to index
      %swap3A_270 = arith.index_cast %select_n3A_263 : i32 to index
      %swap3A_271 = arith.constant 16 : index
      %swap3A_272 = tpu.vector_load %arg3[%swap3A_269, %swap3A_270, %swap3A_271] {strides = array<i32>} : memref<2x256x128xf32, #tpu.memory_space<vmem>>, vector<1x1x16xf32>,
      %swap3A_273 = vector.shape_cast %swap3A_272 : vector<1x1x16xf32> to vector<16xf32>
      %swap3A_274 = vector.shape_cast %broadcast_in_dim3A_3 : vector<16xf32> to vector<1x1x16xf32>
      tpu.vector_store %arg3[%swap3A_269, %swap3A_270, %swap3A_271], %swap3A_274 {strides = array<i32>} : memref<2x256x128xf32, #tpu.memory_space<vmem>>, vector<1x1x16xf32>,
      %swap3A_275 = arith.index_cast %select_n3A : i32 to index
      %swap3A_276 = arith.index_cast %select_n3A_263 : i32 to index
      %swap3A_277 = arith.constant 32 : index
      %swap3A_278 = tpu.vector_load %arg3[%swap3A_275, %swap3A_276, %swap3A_277] {strides = array<i32>} : memref<2x256x128xf32, #tpu.memory_space<vmem>>, vector<1x1x16xf32>,
      %swap3A_279 = vector.shape_cast %swap3A_278 : vector<1x1x16xf32> to vector<16xf32>
      %swap3A_280 = vector.shape_cast %broadcast_in_dim3A_3 : vector<16xf32> to vector<1x1x16xf32>
      tpu.vector_store %arg3[%swap3A_275, %swap3A_276, %swap3A_277], %swap3A_280 {strides = array<i32>} : memref<2x256x128xf32, #tpu.memory_space<vmem>>, vector<1x1x16xf32>,
      %swap3A_281 = arith.index_cast %select_n3A : i32 to index
      %swap3A_282 = arith.index_cast %select_n3A_263 : i32 to index
      %swap3A_283 = arith.constant 48 : index
      %swap3A_284 = tpu.vector_load %arg3[%swap3A_281, %swap3A_282, %swap3A_283] {strides = array<i32>} : memref<2x256x128xf32, #tpu.memory_space<vmem>>, vector<1x1x16xf32>,
      %swap3A_285 = vector.shape_cast %swap3A_284 : vector<1x1x16xf32> to vector<16xf32>
      %swap3A_286 = vector.shape_cast %broadcast_in_dim3A_3 : vector<16xf32> to vector<1x1x16xf32>
      tpu.vector_store %arg3[%swap3A_281, %swap3A_282, %swap3A_283], %swap3A_286 {strides = array<i32>} : memref<2x256x128xf32, #tpu.memory_space<vmem>>, vector<1x1x16xf32>,
      %swap3A_287 = arith.index_cast %select_n3A : i32 to index
      %swap3A_288 = arith.index_cast %select_n3A_263 : i32 to index
      %swap3A_289 = arith.constant 64 : index
      %swap3A_290 = tpu.vector_load %arg3[%swap3A_287, %swap3A_288, %swap3A_289] {strides = array<i32>} : memref<2x256x128xf32, #tpu.memory_space<vmem>>, vector<1x1x16xf32>,
      %swap3A_291 = vector.shape_cast %swap3A_290 : vector<1x1x16xf32> to vector<16xf32>
      %swap3A_292 = vector.shape_cast %broadcast_in_dim3A_3 : vector<16xf32> to vector<1x1x16xf32>
      tpu.vector_store %arg3[%swap3A_287, %swap3A_288, %swap3A_289], %swap3A_292 {strides = array<i32>} : memref<2x256x128xf32, #tpu.memory_space<vmem>>, vector<1x1x16xf32>,
      %swap3A_293 = arith.index_cast %select_n3A : i32 to index
      %swap3A_294 = arith.index_cast %select_n3A_263 : i32 to index
      %swap3A_295 = arith.constant 80 : index
      %swap3A_296 = tpu.vector_load %arg3[%swap3A_293, %swap3A_294, %swap3A_295] {strides = array<i32>} : memref<2x256x128xf32, #tpu.memory_space<vmem>>, vector<1x1x16xf32>,
      %swap3A_297 = vector.shape_cast %swap3A_296 : vector<1x1x16xf32> to vector<16xf32>
      %swap3A_298 = vector.shape_cast %broadcast_in_dim3A_3 : vector<16xf32> to vector<1x1x16xf32>
      tpu.vector_store %arg3[%swap3A_293, %swap3A_294, %swap3A_295], %swap3A_298 {strides = array<i32>} : memref<2x256x128xf32, #tpu.memory_space<vmem>>, vector<1x1x16xf32>,
      %swap3A_299 = arith.index_cast %select_n3A : i32 to index
      %swap3A_300 = arith.index_cast %select_n3A_263 : i32 to index
      %swap3A_301 = arith.constant 96 : index
      %swap3A_302 = tpu.vector_load %arg3[%swap3A_299, %swap3A_300, %swap3A_301] {strides = array<i32>} : memref<2x256x128xf32, #tpu.memory_space<vmem>>, vector<1x1x16xf32>,
      %swap3A_303 = vector.shape_cast %swap3A_302 : vector<1x1x16xf32> to vector<16xf32>
      %swap3A_304 = vector.shape_cast %broadcast_in_dim3A_3 : vector<16xf32> to vector<1x1x16xf32>
      tpu.vector_store %arg3[%swap3A_299, %swap3A_300, %swap3A_301], %swap3A_304 {strides = array<i32>} : memref<2x256x128xf32, #tpu.memory_space<vmem>>, vector<1x1x16xf32>,
      %swap3A_305 = arith.index_cast %select_n3A : i32 to index
      %swap3A_306 = arith.index_cast %select_n3A_263 : i32 to index
      %swap3A_307 = arith.constant 112 : index
      %swap3A_308 = tpu.vector_load %arg3[%swap3A_305, %swap3A_306, %swap3A_307] {strides = array<i32>} : memref<2x256x128xf32, #tpu.memory_space<vmem>>, vector<1x1x16xf32>,
      %swap3A_309 = vector.shape_cast %swap3A_308 : vector<1x1x16xf32> to vector<16xf32>
      %swap3A_310 = vector.shape_cast %broadcast_in_dim3A_3 : vector<16xf32> to vector<1x1x16xf32>
      tpu.vector_store %arg3[%swap3A_305, %swap3A_306, %swap3A_307], %swap3A_310 {strides = array<i32>} : memref<2x256x128xf32, #tpu.memory_space<vmem>>, vector<1x1x16xf32>,
      %scan3A_311 = arith.constant 0 : i32
      scf.yield %scan3A_311 : i32
    }
    %scan3A_9 = arith.constant 512 : i32
    %add3A_10 = arith.constant 0 : i32
    %add3A_11 = arith.addi %mul3A_2, %add3A_10 : i32
    %dma_start3A = arith.constant 0 : i32
    %dma_start3A_12 = arith.constant 0 : i32
    %dma_start3A_13 = tpu.memref_slice %arg2[%add3A_11, %dma_start3A, %dma_start3A_12] : memref<1024x256x128xf32, #tpu.memory_space<hbm>> -> memref<2x256x128xf32, #tpu.memory_space<hbm>>
    %dma_start3A_14 = arith.constant 0 : i32
    %dma_start3A_15 = arith.constant 0 : i32
    %dma_start3A_16 = tpu.memref_slice %arg2[%add3A_11, %dma_start3A_14, %dma_start3A_15] : memref<1024x256x128xf32, #tpu.memory_space<hbm>> -> memref<2x256x128xf32, #tpu.memory_space<hbm>>
    tpu.enqueue_dma source(%arg3 : memref<2x256x128xf32, #tpu.memory_space<vmem>>) target(%dma_start3A_16 : memref<2x256x128xf32, #tpu.memory_space<hbm>>) target_semaphore(%arg4 : memref<!tpu.dma_semaphore, #tpu.memory_space<semaphore_mem>>)
    %add3A_17 = arith.constant 2 : i32
    %add3A_18 = arith.addi %mul3A_2, %add3A_17 : i32
    %dma_start3A_19 = arith.constant 0 : i32
    %dma_start3A_20 = arith.constant 0 : i32
    %dma_start3A_21 = tpu.memref_slice %arg2[%add3A_18, %dma_start3A_19, %dma_start3A_20] : memref<1024x256x128xf32, #tpu.memory_space<hbm>> -> memref<2x256x128xf32, #tpu.memory_space<hbm>>
    %dma_start3A_22 = arith.constant 0 : i32
    %dma_start3A_23 = arith.constant 0 : i32
    %dma_start3A_24 = tpu.memref_slice %arg2[%add3A_18, %dma_start3A_22, %dma_start3A_23] : memref<1024x256x128xf32, #tpu.memory_space<hbm>> -> memref<2x256x128xf32, #tpu.memory_space<hbm>>
    tpu.enqueue_dma source(%arg3 : memref<2x256x128xf32, #tpu.memory_space<vmem>>) target(%dma_start3A_24 : memref<2x256x128xf32, #tpu.memory_space<hbm>>) target_semaphore(%arg4 : memref<!tpu.dma_semaphore, #tpu.memory_space<semaphore_mem>>)
    %add3A_25 = arith.constant 4 : i32
    %add3A_26 = arith.addi %mul3A_2, %add3A_25 : i32
    %dma_start3A_27 = arith.constant 0 : i32
    %dma_start3A_28 = arith.constant 0 : i32
    %dma_start3A_29 = tpu.memref_slice %arg2[%add3A_26, %dma_start3A_27, %dma_start3A_28] : memref<1024x256x128xf32, #tpu.memory_space<hbm>> -> memref<2x256x128xf32, #tpu.memory_space<hbm>>
    %dma_start3A_30 = arith.constant 0 : i32
    %dma_start3A_31 = arith.constant 0 : i32
    %dma_start3A_32 = tpu.memref_slice %arg2[%add3A_26, %dma_start3A_30, %dma_start3A_31] : memref<1024x256x128xf32, #tpu.memory_space<hbm>> -> memref<2x256x128xf32, #tpu.memory_space<hbm>>
    tpu.enqueue_dma source(%arg3 : memref<2x256x128xf32, #tpu.memory_space<vmem>>) target(%dma_start3A_32 : memref<2x256x128xf32, #tpu.memory_space<hbm>>) target_semaphore(%arg4 : memref<!tpu.dma_semaphore, #tpu.memory_space<semaphore_mem>>)
    %add3A_33 = arith.constant 6 : i32
    %add3A_34 = arith.addi %mul3A_2, %add3A_33 : i32
    %dma_start3A_35 = arith.constant 0 : i32
    %dma_start3A_36 = arith.constant 0 : i32
    %dma_start3A_37 = tpu.memref_slice %arg2[%add3A_34, %dma_start3A_35, %dma_start3A_36] : memref<1024x256x128xf32, #tpu.memory_space<hbm>> -> memref<2x256x128xf32, #tpu.memory_space<hbm>>
    %dma_start3A_38 = arith.constant 0 : i32
    %dma_start3A_39 = arith.constant 0 : i32
    %dma_start3A_40 = tpu.memref_slice %arg2[%add3A_34, %dma_start3A_38, %dma_start3A_39] : memref<1024x256x128xf32, #tpu.memory_space<hbm>> -> memref<2x256x128xf32, #tpu.memory_space<hbm>>
    tpu.enqueue_dma source(%arg3 : memref<2x256x128xf32, #tpu.memory_space<vmem>>) target(%dma_start3A_40 : memref<2x256x128xf32, #tpu.memory_space<hbm>>) target_semaphore(%arg4 : memref<!tpu.dma_semaphore, #tpu.memory_space<semaphore_mem>>)
    %add3A_41 = arith.constant 8 : i32
    %add3A_42 = arith.addi %mul3A_2, %add3A_41 : i32
    %dma_start3A_43 = arith.constant 0 : i32
    %dma_start3A_44 = arith.constant 0 : i32
    %dma_start3A_45 = tpu.memref_slice %arg2[%add3A_42, %dma_start3A_43, %dma_start3A_44] : memref<1024x256x128xf32, #tpu.memory_space<hbm>> -> memref<2x256x128xf32, #tpu.memory_space<hbm>>
    %dma_start3A_46 = arith.constant 0 : i32
    %dma_start3A_47 = arith.constant 0 : i32
    %dma_start3A_48 = tpu.memref_slice %arg2[%add3A_42, %dma_start3A_46, %dma_start3A_47] : memref<1024x256x128xf32, #tpu.memory_space<hbm>> -> memref<2x256x128xf32, #tpu.memory_space<hbm>>
    tpu.enqueue_dma source(%arg3 : memref<2x256x128xf32, #tpu.memory_space<vmem>>) target(%dma_start3A_48 : memref<2x256x128xf32, #tpu.memory_space<hbm>>) target_semaphore(%arg4 : memref<!tpu.dma_semaphore, #tpu.memory_space<semaphore_mem>>)
    %add3A_49 = arith.constant 10 : i32
    %add3A_50 = arith.addi %mul3A_2, %add3A_49 : i32
    %dma_start3A_51 = arith.constant 0 : i32
    %dma_start3A_52 = arith.constant 0 : i32
    %dma_start3A_53 = tpu.memref_slice %arg2[%add3A_50, %dma_start3A_51, %dma_start3A_52] : memref<1024x256x128xf32, #tpu.memory_space<hbm>> -> memref<2x256x128xf32, #tpu.memory_space<hbm>>
    %dma_start3A_54 = arith.constant 0 : i32
    %dma_start3A_55 = arith.constant 0 : i32
    %dma_start3A_56 = tpu.memref_slice %arg2[%add3A_50, %dma_start3A_54, %dma_start3A_55] : memref<1024x256x128xf32, #tpu.memory_space<hbm>> -> memref<2x256x128xf32, #tpu.memory_space<hbm>>
    tpu.enqueue_dma source(%arg3 : memref<2x256x128xf32, #tpu.memory_space<vmem>>) target(%dma_start3A_56 : memref<2x256x128xf32, #tpu.memory_space<hbm>>) target_semaphore(%arg4 : memref<!tpu.dma_semaphore, #tpu.memory_space<semaphore_mem>>)
    %add3A_57 = arith.constant 12 : i32
    %add3A_58 = arith.addi %mul3A_2, %add3A_57 : i32
    %dma_start3A_59 = arith.constant 0 : i32
    %dma_start3A_60 = arith.constant 0 : i32
    %dma_start3A_61 = tpu.memref_slice %arg2[%add3A_58, %dma_start3A_59, %dma_start3A_60] : memref<1024x256x128xf32, #tpu.memory_space<hbm>> -> memref<2x256x128xf32, #tpu.memory_space<hbm>>
    %dma_start3A_62 = arith.constant 0 : i32
    %dma_start3A_63 = arith.constant 0 : i32
    %dma_start3A_64 = tpu.memref_slice %arg2[%add3A_58, %dma_start3A_62, %dma_start3A_63] : memref<1024x256x128xf32, #tpu.memory_space<hbm>> -> memref<2x256x128xf32, #tpu.memory_space<hbm>>
    tpu.enqueue_dma source(%arg3 : memref<2x256x128xf32, #tpu.memory_space<vmem>>) target(%dma_start3A_64 : memref<2x256x128xf32, #tpu.memory_space<hbm>>) target_semaphore(%arg4 : memref<!tpu.dma_semaphore, #tpu.memory_space<semaphore_mem>>)
    %add3A_65 = arith.constant 14 : i32
    %add3A_66 = arith.addi %mul3A_2, %add3A_65 : i32
    %dma_start3A_67 = arith.constant 0 : i32
    %dma_start3A_68 = arith.constant 0 : i32
    %dma_start3A_69 = tpu.memref_slice %arg2[%add3A_66, %dma_start3A_67, %dma_start3A_68] : memref<1024x256x128xf32, #tpu.memory_space<hbm>> -> memref<2x256x128xf32, #tpu.memory_space<hbm>>
    %dma_start3A_70 = arith.constant 0 : i32
    %dma_start3A_71 = arith.constant 0 : i32
    %dma_start3A_72 = tpu.memref_slice %arg2[%add3A_66, %dma_start3A_70, %dma_start3A_71] : memref<1024x256x128xf32, #tpu.memory_space<hbm>> -> memref<2x256x128xf32, #tpu.memory_space<hbm>>
    tpu.enqueue_dma source(%arg3 : memref<2x256x128xf32, #tpu.memory_space<vmem>>) target(%dma_start3A_72 : memref<2x256x128xf32, #tpu.memory_space<hbm>>) target_semaphore(%arg4 : memref<!tpu.dma_semaphore, #tpu.memory_space<semaphore_mem>>)
    %add3A_73 = arith.constant 16 : i32
    %add3A_74 = arith.addi %mul3A_2, %add3A_73 : i32
    %dma_start3A_75 = arith.constant 0 : i32
    %dma_start3A_76 = arith.constant 0 : i32
    %dma_start3A_77 = tpu.memref_slice %arg2[%add3A_74, %dma_start3A_75, %dma_start3A_76] : memref<1024x256x128xf32, #tpu.memory_space<hbm>> -> memref<2x256x128xf32, #tpu.memory_space<hbm>>
    %dma_start3A_78 = arith.constant 0 : i32
    %dma_start3A_79 = arith.constant 0 : i32
    %dma_start3A_80 = tpu.memref_slice %arg2[%add3A_74, %dma_start3A_78, %dma_start3A_79] : memref<1024x256x128xf32, #tpu.memory_space<hbm>> -> memref<2x256x128xf32, #tpu.memory_space<hbm>>
    tpu.enqueue_dma source(%arg3 : memref<2x256x128xf32, #tpu.memory_space<vmem>>) target(%dma_start3A_80 : memref<2x256x128xf32, #tpu.memory_space<hbm>>) target_semaphore(%arg4 : memref<!tpu.dma_semaphore, #tpu.memory_space<semaphore_mem>>)
    %add3A_81 = arith.constant 18 : i32
    %add3A_82 = arith.addi %mul3A_2, %add3A_81 : i32
    %dma_start3A_83 = arith.constant 0 : i32
    %dma_start3A_84 = arith.constant 0 : i32
    %dma_start3A_85 = tpu.memref_slice %arg2[%add3A_82, %dma_start3A_83, %dma_start3A_84] : memref<1024x256x128xf32, #tpu.memory_space<hbm>> -> memref<2x256x128xf32, #tpu.memory_space<hbm>>
    %dma_start3A_86 = arith.constant 0 : i32
    %dma_start3A_87 = arith.constant 0 : i32
    %dma_start3A_88 = tpu.memref_slice %arg2[%add3A_82, %dma_start3A_86, %dma_start3A_87] : memref<1024x256x128xf32, #tpu.memory_space<hbm>> -> memref<2x256x128xf32, #tpu.memory_space<hbm>>
    tpu.enqueue_dma source(%arg3 : memref<2x256x128xf32, #tpu.memory_space<vmem>>) target(%dma_start3A_88 : memref<2x256x128xf32, #tpu.memory_space<hbm>>) target_semaphore(%arg4 : memref<!tpu.dma_semaphore, #tpu.memory_space<semaphore_mem>>)
    %add3A_89 = arith.constant 20 : i32
    %add3A_90 = arith.addi %mul3A_2, %add3A_89 : i32
    %dma_start3A_91 = arith.constant 0 : i32
    %dma_start3A_92 = arith.constant 0 : i32
    %dma_start3A_93 = tpu.memref_slice %arg2[%add3A_90, %dma_start3A_91, %dma_start3A_92] : memref<1024x256x128xf32, #tpu.memory_space<hbm>> -> memref<2x256x128xf32, #tpu.memory_space<hbm>>
    %dma_start3A_94 = arith.constant 0 : i32
    %dma_start3A_95 = arith.constant 0 : i32
    %dma_start3A_96 = tpu.memref_slice %arg2[%add3A_90, %dma_start3A_94, %dma_start3A_95] : memref<1024x256x128xf32, #tpu.memory_space<hbm>> -> memref<2x256x128xf32, #tpu.memory_space<hbm>>
    tpu.enqueue_dma source(%arg3 : memref<2x256x128xf32, #tpu.memory_space<vmem>>) target(%dma_start3A_96 : memref<2x256x128xf32, #tpu.memory_space<hbm>>) target_semaphore(%arg4 : memref<!tpu.dma_semaphore, #tpu.memory_space<semaphore_mem>>)
    %add3A_97 = arith.constant 22 : i32
    %add3A_98 = arith.addi %mul3A_2, %add3A_97 : i32
    %dma_start3A_99 = arith.constant 0 : i32
    %dma_start3A_100 = arith.constant 0 : i32
    %dma_start3A_101 = tpu.memref_slice %arg2[%add3A_98, %dma_start3A_99, %dma_start3A_100] : memref<1024x256x128xf32, #tpu.memory_space<hbm>> -> memref<2x256x128xf32, #tpu.memory_space<hbm>>
    %dma_start3A_102 = arith.constant 0 : i32
    %dma_start3A_103 = arith.constant 0 : i32
    %dma_start3A_104 = tpu.memref_slice %arg2[%add3A_98, %dma_start3A_102, %dma_start3A_103] : memref<1024x256x128xf32, #tpu.memory_space<hbm>> -> memref<2x256x128xf32, #tpu.memory_space<hbm>>
    tpu.enqueue_dma source(%arg3 : memref<2x256x128xf32, #tpu.memory_space<vmem>>) target(%dma_start3A_104 : memref<2x256x128xf32, #tpu.memory_space<hbm>>) target_semaphore(%arg4 : memref<!tpu.dma_semaphore, #tpu.memory_space<semaphore_mem>>)
    %add3A_105 = arith.constant 24 : i32
    %add3A_106 = arith.addi %mul3A_2, %add3A_105 : i32
    %dma_start3A_107 = arith.constant 0 : i32
    %dma_start3A_108 = arith.constant 0 : i32
    %dma_start3A_109 = tpu.memref_slice %arg2[%add3A_106, %dma_start3A_107, %dma_start3A_108] : memref<1024x256x128xf32, #tpu.memory_space<hbm>> -> memref<2x256x128xf32, #tpu.memory_space<hbm>>
    %dma_start3A_110 = arith.constant 0 : i32
    %dma_start3A_111 = arith.constant 0 : i32
    %dma_start3A_112 = tpu.memref_slice %arg2[%add3A_106, %dma_start3A_110, %dma_start3A_111] : memref<1024x256x128xf32, #tpu.memory_space<hbm>> -> memref<2x256x128xf32, #tpu.memory_space<hbm>>
    tpu.enqueue_dma source(%arg3 : memref<2x256x128xf32, #tpu.memory_space<vmem>>) target(%dma_start3A_112 : memref<2x256x128xf32, #tpu.memory_space<hbm>>) target_semaphore(%arg4 : memref<!tpu.dma_semaphore, #tpu.memory_space<semaphore_mem>>)
    %add3A_113 = arith.constant 26 : i32
    %add3A_114 = arith.addi %mul3A_2, %add3A_113 : i32
    %dma_start3A_115 = arith.constant 0 : i32
    %dma_start3A_116 = arith.constant 0 : i32
    %dma_start3A_117 = tpu.memref_slice %arg2[%add3A_114, %dma_start3A_115, %dma_start3A_116] : memref<1024x256x128xf32, #tpu.memory_space<hbm>> -> memref<2x256x128xf32, #tpu.memory_space<hbm>>
    %dma_start3A_118 = arith.constant 0 : i32
    %dma_start3A_119 = arith.constant 0 : i32
    %dma_start3A_120 = tpu.memref_slice %arg2[%add3A_114, %dma_start3A_118, %dma_start3A_119] : memref<1024x256x128xf32, #tpu.memory_space<hbm>> -> memref<2x256x128xf32, #tpu.memory_space<hbm>>
    tpu.enqueue_dma source(%arg3 : memref<2x256x128xf32, #tpu.memory_space<vmem>>) target(%dma_start3A_120 : memref<2x256x128xf32, #tpu.memory_space<hbm>>) target_semaphore(%arg4 : memref<!tpu.dma_semaphore, #tpu.memory_space<semaphore_mem>>)
    %add3A_121 = arith.constant 28 : i32
    %add3A_122 = arith.addi %mul3A_2, %add3A_121 : i32
    %dma_start3A_123 = arith.constant 0 : i32
    %dma_start3A_124 = arith.constant 0 : i32
    %dma_start3A_125 = tpu.memref_slice %arg2[%add3A_122, %dma_start3A_123, %dma_start3A_124] : memref<1024x256x128xf32, #tpu.memory_space<hbm>> -> memref<2x256x128xf32, #tpu.memory_space<hbm>>
    %dma_start3A_126 = arith.constant 0 : i32
    %dma_start3A_127 = arith.constant 0 : i32
    %dma_start3A_128 = tpu.memref_slice %arg2[%add3A_122, %dma_start3A_126, %dma_start3A_127] : memref<1024x256x128xf32, #tpu.memory_space<hbm>> -> memref<2x256x128xf32, #tpu.memory_space<hbm>>
    tpu.enqueue_dma source(%arg3 : memref<2x256x128xf32, #tpu.memory_space<vmem>>) target(%dma_start3A_128 : memref<2x256x128xf32, #tpu.memory_space<hbm>>) target_semaphore(%arg4 : memref<!tpu.dma_semaphore, #tpu.memory_space<semaphore_mem>>)
    %add3A_129 = arith.constant 30 : i32
    %add3A_130 = arith.addi %mul3A_2, %add3A_129 : i32
    %dma_start3A_131 = arith.constant 0 : i32
    %dma_start3A_132 = arith.constant 0 : i32
    %dma_start3A_133 = tpu.memref_slice %arg2[%add3A_130, %dma_start3A_131, %dma_start3A_132] : memref<1024x256x128xf32, #tpu.memory_space<hbm>> -> memref<2x256x128xf32, #tpu.memory_space<hbm>>
    %dma_start3A_134 = arith.constant 0 : i32
    %dma_start3A_135 = arith.constant 0 : i32
    %dma_start3A_136 = tpu.memref_slice %arg2[%add3A_130, %dma_start3A_134, %dma_start3A_135] : memref<1024x256x128xf32, #tpu.memory_space<hbm>> -> memref<2x256x128xf32, #tpu.memory_space<hbm>>
    tpu.enqueue_dma source(%arg3 : memref<2x256x128xf32, #tpu.memory_space<vmem>>) target(%dma_start3A_136 : memref<2x256x128xf32, #tpu.memory_space<hbm>>) target_semaphore(%arg4 : memref<!tpu.dma_semaphore, #tpu.memory_space<semaphore_mem>>)
    %dma_wait3A = arith.constant 0 : i32
    %dma_wait3A_137 = arith.constant 0 : i32
    %dma_wait3A_138 = tpu.memref_slice %arg2[%add3A_11, %dma_wait3A, %dma_wait3A_137] : memref<1024x256x128xf32, #tpu.memory_space<hbm>> -> memref<2x256x128xf32, #tpu.memory_space<hbm>>
    %dma_wait3A_139 = arith.constant 0 : i32
    %dma_wait3A_140 = arith.constant 0 : i32
    %dma_wait3A_141 = tpu.memref_slice %arg2[%add3A_11, %dma_wait3A_139, %dma_wait3A_140] : memref<1024x256x128xf32, #tpu.memory_space<hbm>> -> memref<2x256x128xf32, #tpu.memory_space<hbm>>
    tpu.wait_dma2 semaphore(%arg4 : memref<!tpu.dma_semaphore, #tpu.memory_space<semaphore_mem>>) src(%arg3 : memref<2x256x128xf32, #tpu.memory_space<vmem>>) dst(%dma_wait3A_141 : memref<2x256x128xf32, #tpu.memory_space<hbm>>)
    %dma_wait3A_142 = arith.constant 0 : i32
    %dma_wait3A_143 = arith.constant 0 : i32
    %dma_wait3A_144 = tpu.memref_slice %arg2[%add3A_18, %dma_wait3A_142, %dma_wait3A_143] : memref<1024x256x128xf32, #tpu.memory_space<hbm>> -> memref<2x256x128xf32, #tpu.memory_space<hbm>>
    %dma_wait3A_145 = arith.constant 0 : i32
    %dma_wait3A_146 = arith.constant 0 : i32
    %dma_wait3A_147 = tpu.memref_slice %arg2[%add3A_18, %dma_wait3A_145, %dma_wait3A_146] : memref<1024x256x128xf32, #tpu.memory_space<hbm>> -> memref<2x256x128xf32, #tpu.memory_space<hbm>>
    tpu.wait_dma2 semaphore(%arg4 : memref<!tpu.dma_semaphore, #tpu.memory_space<semaphore_mem>>) src(%arg3 : memref<2x256x128xf32, #tpu.memory_space<vmem>>) dst(%dma_wait3A_147 : memref<2x256x128xf32, #tpu.memory_space<hbm>>)
    %dma_wait3A_148 = arith.constant 0 : i32
    %dma_wait3A_149 = arith.constant 0 : i32
    %dma_wait3A_150 = tpu.memref_slice %arg2[%add3A_26, %dma_wait3A_148, %dma_wait3A_149] : memref<1024x256x128xf32, #tpu.memory_space<hbm>> -> memref<2x256x128xf32, #tpu.memory_space<hbm>>
    %dma_wait3A_151 = arith.constant 0 : i32
    %dma_wait3A_152 = arith.constant 0 : i32
    %dma_wait3A_153 = tpu.memref_slice %arg2[%add3A_26, %dma_wait3A_151, %dma_wait3A_152] : memref<1024x256x128xf32, #tpu.memory_space<hbm>> -> memref<2x256x128xf32, #tpu.memory_space<hbm>>
    tpu.wait_dma2 semaphore(%arg4 : memref<!tpu.dma_semaphore, #tpu.memory_space<semaphore_mem>>) src(%arg3 : memref<2x256x128xf32, #tpu.memory_space<vmem>>) dst(%dma_wait3A_153 : memref<2x256x128xf32, #tpu.memory_space<hbm>>)
    %dma_wait3A_154 = arith.constant 0 : i32
    %dma_wait3A_155 = arith.constant 0 : i32
    %dma_wait3A_156 = tpu.memref_slice %arg2[%add3A_34, %dma_wait3A_154, %dma_wait3A_155] : memref<1024x256x128xf32, #tpu.memory_space<hbm>> -> memref<2x256x128xf32, #tpu.memory_space<hbm>>
    %dma_wait3A_157 = arith.constant 0 : i32
    %dma_wait3A_158 = arith.constant 0 : i32
    %dma_wait3A_159 = tpu.memref_slice %arg2[%add3A_34, %dma_wait3A_157, %dma_wait3A_158] : memref<1024x256x128xf32, #tpu.memory_space<hbm>> -> memref<2x256x128xf32, #tpu.memory_space<hbm>>
    tpu.wait_dma2 semaphore(%arg4 : memref<!tpu.dma_semaphore, #tpu.memory_space<semaphore_mem>>) src(%arg3 : memref<2x256x128xf32, #tpu.memory_space<vmem>>) dst(%dma_wait3A_159 : memref<2x256x128xf32, #tpu.memory_space<hbm>>)
    %dma_wait3A_160 = arith.constant 0 : i32
    %dma_wait3A_161 = arith.constant 0 : i32
    %dma_wait3A_162 = tpu.memref_slice %arg2[%add3A_42, %dma_wait3A_160, %dma_wait3A_161] : memref<1024x256x128xf32, #tpu.memory_space<hbm>> -> memref<2x256x128xf32, #tpu.memory_space<hbm>>
    %dma_wait3A_163 = arith.constant 0 : i32
    %dma_wait3A_164 = arith.constant 0 : i32
    %dma_wait3A_165 = tpu.memref_slice %arg2[%add3A_42, %dma_wait3A_163, %dma_wait3A_164] : memref<1024x256x128xf32, #tpu.memory_space<hbm>> -> memref<2x256x128xf32, #tpu.memory_space<hbm>>
    tpu.wait_dma2 semaphore(%arg4 : memref<!tpu.dma_semaphore, #tpu.memory_space<semaphore_mem>>) src(%arg3 : memref<2x256x128xf32, #tpu.memory_space<vmem>>) dst(%dma_wait3A_165 : memref<2x256x128xf32, #tpu.memory_space<hbm>>)
    %dma_wait3A_166 = arith.constant 0 : i32
    %dma_wait3A_167 = arith.constant 0 : i32
    %dma_wait3A_168 = tpu.memref_slice %arg2[%add3A_50, %dma_wait3A_166, %dma_wait3A_167] : memref<1024x256x128xf32, #tpu.memory_space<hbm>> -> memref<2x256x128xf32, #tpu.memory_space<hbm>>
    %dma_wait3A_169 = arith.constant 0 : i32
    %dma_wait3A_170 = arith.constant 0 : i32
    %dma_wait3A_171 = tpu.memref_slice %arg2[%add3A_50, %dma_wait3A_169, %dma_wait3A_170] : memref<1024x256x128xf32, #tpu.memory_space<hbm>> -> memref<2x256x128xf32, #tpu.memory_space<hbm>>
    tpu.wait_dma2 semaphore(%arg4 : memref<!tpu.dma_semaphore, #tpu.memory_space<semaphore_mem>>) src(%arg3 : memref<2x256x128xf32, #tpu.memory_space<vmem>>) dst(%dma_wait3A_171 : memref<2x256x128xf32, #tpu.memory_space<hbm>>)
    %dma_wait3A_172 = arith.constant 0 : i32
    %dma_wait3A_173 = arith.constant 0 : i32
    %dma_wait3A_174 = tpu.memref_slice %arg2[%add3A_58, %dma_wait3A_172, %dma_wait3A_173] : memref<1024x256x128xf32, #tpu.memory_space<hbm>> -> memref<2x256x128xf32, #tpu.memory_space<hbm>>
    %dma_wait3A_175 = arith.constant 0 : i32
    %dma_wait3A_176 = arith.constant 0 : i32
    %dma_wait3A_177 = tpu.memref_slice %arg2[%add3A_58, %dma_wait3A_175, %dma_wait3A_176] : memref<1024x256x128xf32, #tpu.memory_space<hbm>> -> memref<2x256x128xf32, #tpu.memory_space<hbm>>
    tpu.wait_dma2 semaphore(%arg4 : memref<!tpu.dma_semaphore, #tpu.memory_space<semaphore_mem>>) src(%arg3 : memref<2x256x128xf32, #tpu.memory_space<vmem>>) dst(%dma_wait3A_177 : memref<2x256x128xf32, #tpu.memory_space<hbm>>)
    %dma_wait3A_178 = arith.constant 0 : i32
    %dma_wait3A_179 = arith.constant 0 : i32
    %dma_wait3A_180 = tpu.memref_slice %arg2[%add3A_66, %dma_wait3A_178, %dma_wait3A_179] : memref<1024x256x128xf32, #tpu.memory_space<hbm>> -> memref<2x256x128xf32, #tpu.memory_space<hbm>>
    %dma_wait3A_181 = arith.constant 0 : i32
    %dma_wait3A_182 = arith.constant 0 : i32
    %dma_wait3A_183 = tpu.memref_slice %arg2[%add3A_66, %dma_wait3A_181, %dma_wait3A_182] : memref<1024x256x128xf32, #tpu.memory_space<hbm>> -> memref<2x256x128xf32, #tpu.memory_space<hbm>>
    tpu.wait_dma2 semaphore(%arg4 : memref<!tpu.dma_semaphore, #tpu.memory_space<semaphore_mem>>) src(%arg3 : memref<2x256x128xf32, #tpu.memory_space<vmem>>) dst(%dma_wait3A_183 : memref<2x256x128xf32, #tpu.memory_space<hbm>>)
    %dma_wait3A_184 = arith.constant 0 : i32
    %dma_wait3A_185 = arith.constant 0 : i32
    %dma_wait3A_186 = tpu.memref_slice %arg2[%add3A_74, %dma_wait3A_184, %dma_wait3A_185] : memref<1024x256x128xf32, #tpu.memory_space<hbm>> -> memref<2x256x128xf32, #tpu.memory_space<hbm>>
    %dma_wait3A_187 = arith.constant 0 : i32
    %dma_wait3A_188 = arith.constant 0 : i32
    %dma_wait3A_189 = tpu.memref_slice %arg2[%add3A_74, %dma_wait3A_187, %dma_wait3A_188] : memref<1024x256x128xf32, #tpu.memory_space<hbm>> -> memref<2x256x128xf32, #tpu.memory_space<hbm>>
    tpu.wait_dma2 semaphore(%arg4 : memref<!tpu.dma_semaphore, #tpu.memory_space<semaphore_mem>>) src(%arg3 : memref<2x256x128xf32, #tpu.memory_space<vmem>>) dst(%dma_wait3A_189 : memref<2x256x128xf32, #tpu.memory_space<hbm>>)
    %dma_wait3A_190 = arith.constant 0 : i32
    %dma_wait3A_191 = arith.constant 0 : i32
    %dma_wait3A_192 = tpu.memref_slice %arg2[%add3A_82, %dma_wait3A_190, %dma_wait3A_191] : memref<1024x256x128xf32, #tpu.memory_space<hbm>> -> memref<2x256x128xf32, #tpu.memory_space<hbm>>
    %dma_wait3A_193 = arith.constant 0 : i32
    %dma_wait3A_194 = arith.constant 0 : i32
    %dma_wait3A_195 = tpu.memref_slice %arg2[%add3A_82, %dma_wait3A_193, %dma_wait3A_194] : memref<1024x256x128xf32, #tpu.memory_space<hbm>> -> memref<2x256x128xf32, #tpu.memory_space<hbm>>
    tpu.wait_dma2 semaphore(%arg4 : memref<!tpu.dma_semaphore, #tpu.memory_space<semaphore_mem>>) src(%arg3 : memref<2x256x128xf32, #tpu.memory_space<vmem>>) dst(%dma_wait3A_195 : memref<2x256x128xf32, #tpu.memory_space<hbm>>)
    %dma_wait3A_196 = arith.constant 0 : i32
    %dma_wait3A_197 = arith.constant 0 : i32
    %dma_wait3A_198 = tpu.memref_slice %arg2[%add3A_90, %dma_wait3A_196, %dma_wait3A_197] : memref<1024x256x128xf32, #tpu.memory_space<hbm>> -> memref<2x256x128xf32, #tpu.memory_space<hbm>>
    %dma_wait3A_199 = arith.constant 0 : i32
    %dma_wait3A_200 = arith.constant 0 : i32
    %dma_wait3A_201 = tpu.memref_slice %arg2[%add3A_90, %dma_wait3A_199, %dma_wait3A_200] : memref<1024x256x128xf32, #tpu.memory_space<hbm>> -> memref<2x256x128xf32, #tpu.memory_space<hbm>>
    tpu.wait_dma2 semaphore(%arg4 : memref<!tpu.dma_semaphore, #tpu.memory_space<semaphore_mem>>) src(%arg3 : memref<2x256x128xf32, #tpu.memory_space<vmem>>) dst(%dma_wait3A_201 : memref<2x256x128xf32, #tpu.memory_space<hbm>>)
    %dma_wait3A_202 = arith.constant 0 : i32
    %dma_wait3A_203 = arith.constant 0 : i32
    %dma_wait3A_204 = tpu.memref_slice %arg2[%add3A_98, %dma_wait3A_202, %dma_wait3A_203] : memref<1024x256x128xf32, #tpu.memory_space<hbm>> -> memref<2x256x128xf32, #tpu.memory_space<hbm>>
    %dma_wait3A_205 = arith.constant 0 : i32
    %dma_wait3A_206 = arith.constant 0 : i32
    %dma_wait3A_207 = tpu.memref_slice %arg2[%add3A_98, %dma_wait3A_205, %dma_wait3A_206] : memref<1024x256x128xf32, #tpu.memory_space<hbm>> -> memref<2x256x128xf32, #tpu.memory_space<hbm>>
    tpu.wait_dma2 semaphore(%arg4 : memref<!tpu.dma_semaphore, #tpu.memory_space<semaphore_mem>>) src(%arg3 : memref<2x256x128xf32, #tpu.memory_space<vmem>>) dst(%dma_wait3A_207 : memref<2x256x128xf32, #tpu.memory_space<hbm>>)
    %dma_wait3A_208 = arith.constant 0 : i32
    %dma_wait3A_209 = arith.constant 0 : i32
    %dma_wait3A_210 = tpu.memref_slice %arg2[%add3A_106, %dma_wait3A_208, %dma_wait3A_209] : memref<1024x256x128xf32, #tpu.memory_space<hbm>> -> memref<2x256x128xf32, #tpu.memory_space<hbm>>
    %dma_wait3A_211 = arith.constant 0 : i32
    %dma_wait3A_212 = arith.constant 0 : i32
    %dma_wait3A_213 = tpu.memref_slice %arg2[%add3A_106, %dma_wait3A_211, %dma_wait3A_212] : memref<1024x256x128xf32, #tpu.memory_space<hbm>> -> memref<2x256x128xf32, #tpu.memory_space<hbm>>
    tpu.wait_dma2 semaphore(%arg4 : memref<!tpu.dma_semaphore, #tpu.memory_space<semaphore_mem>>) src(%arg3 : memref<2x256x128xf32, #tpu.memory_space<vmem>>) dst(%dma_wait3A_213 : memref<2x256x128xf32, #tpu.memory_space<hbm>>)
    %dma_wait3A_214 = arith.constant 0 : i32
    %dma_wait3A_215 = arith.constant 0 : i32
    %dma_wait3A_216 = tpu.memref_slice %arg2[%add3A_114, %dma_wait3A_214, %dma_wait3A_215] : memref<1024x256x128xf32, #tpu.memory_space<hbm>> -> memref<2x256x128xf32, #tpu.memory_space<hbm>>
    %dma_wait3A_217 = arith.constant 0 : i32
    %dma_wait3A_218 = arith.constant 0 : i32
    %dma_wait3A_219 = tpu.memref_slice %arg2[%add3A_114, %dma_wait3A_217, %dma_wait3A_218] : memref<1024x256x128xf32, #tpu.memory_space<hbm>> -> memref<2x256x128xf32, #tpu.memory_space<hbm>>
    tpu.wait_dma2 semaphore(%arg4 : memref<!tpu.dma_semaphore, #tpu.memory_space<semaphore_mem>>) src(%arg3 : memref<2x256x128xf32, #tpu.memory_space<vmem>>) dst(%dma_wait3A_219 : memref<2x256x128xf32, #tpu.memory_space<hbm>>)
    %dma_wait3A_220 = arith.constant 0 : i32
    %dma_wait3A_221 = arith.constant 0 : i32
    %dma_wait3A_222 = tpu.memref_slice %arg2[%add3A_122, %dma_wait3A_220, %dma_wait3A_221] : memref<1024x256x128xf32, #tpu.memory_space<hbm>> -> memref<2x256x128xf32, #tpu.memory_space<hbm>>
    %dma_wait3A_223 = arith.constant 0 : i32
    %dma_wait3A_224 = arith.constant 0 : i32
    %dma_wait3A_225 = tpu.memref_slice %arg2[%add3A_122, %dma_wait3A_223, %dma_wait3A_224] : memref<1024x256x128xf32, #tpu.memory_space<hbm>> -> memref<2x256x128xf32, #tpu.memory_space<hbm>>
    tpu.wait_dma2 semaphore(%arg4 : memref<!tpu.dma_semaphore, #tpu.memory_space<semaphore_mem>>) src(%arg3 : memref<2x256x128xf32, #tpu.memory_space<vmem>>) dst(%dma_wait3A_225 : memref<2x256x128xf32, #tpu.memory_space<hbm>>)
    %dma_wait3A_226 = arith.constant 0 : i32
    %dma_wait3A_227 = arith.constant 0 : i32
    %dma_wait3A_228 = tpu.memref_slice %arg2[%add3A_130, %dma_wait3A_226, %dma_wait3A_227] : memref<1024x256x128xf32, #tpu.memory_space<hbm>> -> memref<2x256x128xf32, #tpu.memory_space<hbm>>
    %dma_wait3A_229 = arith.constant 0 : i32
    %dma_wait3A_230 = arith.constant 0 : i32
    %dma_wait3A_231 = tpu.memref_slice %arg2[%add3A_130, %dma_wait3A_229, %dma_wait3A_230] : memref<1024x256x128xf32, #tpu.memory_space<hbm>> -> memref<2x256x128xf32, #tpu.memory_space<hbm>>
    tpu.wait_dma2 semaphore(%arg4 : memref<!tpu.dma_semaphore, #tpu.memory_space<semaphore_mem>>) src(%arg3 : memref<2x256x128xf32, #tpu.memory_space<vmem>>) dst(%dma_wait3A_231 : memref<2x256x128xf32, #tpu.memory_space<hbm>>)
    return
  }
}

module attributes {stable_mosaic.version = 14 : i64} {
  func.func @_tc_body(%arg0: i32, %arg1: memref<1024x256x128xf32, #tpu.memory_space<any>>, %arg2: memref<32x128xf32, #tpu.memory_space<vmem>>, %arg3: memref<32x64xf32, #tpu.memory_space<vmem>>, %arg4: memref<256x64xf32, #tpu.memory_space<vmem>>, %arg5: memref<1x256xf32, #tpu.memory_space<vmem>>, %arg6: memref<1024x256x128xf32, #tpu.memory_space<any>>, %arg7: memref<32x128x128xf32, #tpu.memory_space<vmem>>, %arg8: memref<32x256xf32, #tpu.memory_space<vmem>>) attributes {dimension_semantics = [#tpu.dimension_semantics<arbitrary>], iteration_bounds = array<i64: 32>, scalar_prefetch = 0 : i64, scratch_operands = 0 : i64, tpu.core_type = #tpu.core_type<tc>, window_params = [{}, {transform_indices = @transform_1, window_bounds = array<i64: 32, 128>}, {transform_indices = @transform_2, window_bounds = array<i64: 32, 64>}, {pipeline_mode = #tpu.pipeline_mode<synchronous>, transform_indices = @transform_3, window_bounds = array<i64: 256, 64>}, {pipeline_mode = #tpu.pipeline_mode<synchronous>, transform_indices = @transform_4, window_bounds = array<i64: 1, 256>}, {}, {transform_indices = @transform_6, window_bounds = array<i64: 32, 128, 128>}, {transform_indices = @transform_7, window_bounds = array<i64: 32, 256>}]} {
    %iota3A = tpu.iota {dimensions = array<i32: 0>} : vector<128x128xi32>
    %iota3A_0 = tpu.iota {dimensions = array<i32: 1>} : vector<128x128xi32>
    %lt3A = arith.cmpi slt, %iota3A, %iota3A_0 : vector<128x128xi32>
    %get3A = arith.constant 0 : index
    %get3A_1 = arith.constant 0 : index
    %get3A_2 = vector.load %arg2[%get3A, %get3A_1] : memref<32x128xf32, #tpu.memory_space<vmem>>, vector<32x128xf32>
    %transpose3A = tpu.transpose %get3A_2, [1, 0] : vector<32x128xf32> -> vector<128x32xf32>
    %slice3A = vector.extract_strided_slice %get3A_2 {offsets = [0, 0], sizes = [1, 128], strides = [1, 1]} : vector<32x128xf32> to vector<1x128xf32>
    %slice3A_3 = vector.extract_strided_slice %transpose3A {offsets = [0, 0], sizes = [128, 1], strides = [1, 1]} : vector<128x32xf32> to vector<128x1xf32>
    %lt3A_4 = vector.broadcast %slice3A_3 : vector<128x1xf32> to vector<128x128xf32>
    %lt3A_5 = vector.broadcast %slice3A : vector<1x128xf32> to vector<128x128xf32>
    %lt3A_6 = arith.cmpf olt, %lt3A_4, %lt3A_5 : vector<128x128xf32>
    %eq3A = vector.broadcast %slice3A_3 : vector<128x1xf32> to vector<128x128xf32>
    %eq3A_7 = vector.broadcast %slice3A : vector<1x128xf32> to vector<128x128xf32>
    %eq3A_8 = arith.cmpf oeq, %eq3A, %eq3A_7 : vector<128x128xf32>
    %and3A = arith.andi %eq3A_8, %lt3A : vector<128x128xi1>
    %or3A = arith.ori %lt3A_6, %and3A : vector<128x128xi1>
    %convert_element_type3A = arith.extui %or3A : vector<128x128xi1> to vector<128x128xi32>
    %reduce_sum3A = arith.constant dense<0> : vector<128xi32>
    %reduce_sum3A_9 = vector.multi_reduction <add>, %convert_element_type3A, %reduce_sum3A [0] : vector<128x128xi32> to vector<128xi32>
    %broadcast_in_dim3A = vector.shape_cast %reduce_sum3A_9 : vector<128xi32> to vector<1x128xi32>
    %eq3A_10 = vector.broadcast %broadcast_in_dim3A : vector<1x128xi32> to vector<128x128xi32>
    %eq3A_11 = arith.cmpi eq, %iota3A, %eq3A_10 : vector<128x128xi32>
    %convert_element_type3A_12 = arith.extui %eq3A_11 : vector<128x128xi1> to vector<128x128xi32>
    %convert_element_type3A_13 = arith.sitofp %convert_element_type3A_12 : vector<128x128xi32> to vector<128x128xf32>
    %swap3A = arith.constant 0 : index
    %swap3A_14 = arith.constant 0 : index
    %swap3A_15 = arith.constant 0 : index
    %swap3A_16 = vector.load %arg7[%swap3A, %swap3A_14, %swap3A_15] : memref<32x128x128xf32, #tpu.memory_space<vmem>>, vector<1x128x128xf32>
    %swap3A_17 = vector.shape_cast %swap3A_16 : vector<1x128x128xf32> to vector<128x128xf32>
    %swap3A_18 = vector.shape_cast %convert_element_type3A_13 : vector<128x128xf32> to vector<1x128x128xf32>
    tpu.vector_store %arg7[%swap3A, %swap3A_14, %swap3A_15], %swap3A_18 {strides = array<i32>} : memref<32x128x128xf32, #tpu.memory_space<vmem>>, vector<1x128x128xf32>,
    %slice3A_19 = vector.extract_strided_slice %get3A_2 {offsets = [1, 0], sizes = [1, 128], strides = [1, 1]} : vector<32x128xf32> to vector<1x128xf32>
    %slice3A_20 = vector.extract_strided_slice %transpose3A {offsets = [0, 1], sizes = [128, 1], strides = [1, 1]} : vector<128x32xf32> to vector<128x1xf32>
    %lt3A_21 = vector.broadcast %slice3A_20 : vector<128x1xf32> to vector<128x128xf32>
    %lt3A_22 = vector.broadcast %slice3A_19 : vector<1x128xf32> to vector<128x128xf32>
    %lt3A_23 = arith.cmpf olt, %lt3A_21, %lt3A_22 : vector<128x128xf32>
    %eq3A_24 = vector.broadcast %slice3A_20 : vector<128x1xf32> to vector<128x128xf32>
    %eq3A_25 = vector.broadcast %slice3A_19 : vector<1x128xf32> to vector<128x128xf32>
    %eq3A_26 = arith.cmpf oeq, %eq3A_24, %eq3A_25 : vector<128x128xf32>
    %and3A_27 = arith.andi %eq3A_26, %lt3A : vector<128x128xi1>
    %or3A_28 = arith.ori %lt3A_23, %and3A_27 : vector<128x128xi1>
    %convert_element_type3A_29 = arith.extui %or3A_28 : vector<128x128xi1> to vector<128x128xi32>
    %reduce_sum3A_30 = arith.constant dense<0> : vector<128xi32>
    %reduce_sum3A_31 = vector.multi_reduction <add>, %convert_element_type3A_29, %reduce_sum3A_30 [0] : vector<128x128xi32> to vector<128xi32>
    %broadcast_in_dim3A_32 = vector.shape_cast %reduce_sum3A_31 : vector<128xi32> to vector<1x128xi32>
    %eq3A_33 = vector.broadcast %broadcast_in_dim3A_32 : vector<1x128xi32> to vector<128x128xi32>
    %eq3A_34 = arith.cmpi eq, %iota3A, %eq3A_33 : vector<128x128xi32>
    %convert_element_type3A_35 = arith.extui %eq3A_34 : vector<128x128xi1> to vector<128x128xi32>
    %convert_element_type3A_36 = arith.sitofp %convert_element_type3A_35 : vector<128x128xi32> to vector<128x128xf32>
    %swap3A_37 = arith.constant 1 : index
    %swap3A_38 = arith.constant 0 : index
    %swap3A_39 = arith.constant 0 : index
    %swap3A_40 = vector.load %arg7[%swap3A_37, %swap3A_38, %swap3A_39] : memref<32x128x128xf32, #tpu.memory_space<vmem>>, vector<1x128x128xf32>
    %swap3A_41 = vector.shape_cast %swap3A_40 : vector<1x128x128xf32> to vector<128x128xf32>
    %swap3A_42 = vector.shape_cast %convert_element_type3A_36 : vector<128x128xf32> to vector<1x128x128xf32>
    tpu.vector_store %arg7[%swap3A_37, %swap3A_38, %swap3A_39], %swap3A_42 {strides = array<i32>} : memref<32x128x128xf32, #tpu.memory_space<vmem>>, vector<1x128x128xf32>,
    %slice3A_43 = vector.extract_strided_slice %get3A_2 {offsets = [2, 0], sizes = [1, 128], strides = [1, 1]} : vector<32x128xf32> to vector<1x128xf32>
    %slice3A_44 = vector.extract_strided_slice %transpose3A {offsets = [0, 2], sizes = [128, 1], strides = [1, 1]} : vector<128x32xf32> to vector<128x1xf32>
    %lt3A_45 = vector.broadcast %slice3A_44 : vector<128x1xf32> to vector<128x128xf32>
    %lt3A_46 = vector.broadcast %slice3A_43 : vector<1x128xf32> to vector<128x128xf32>
    %lt3A_47 = arith.cmpf olt, %lt3A_45, %lt3A_46 : vector<128x128xf32>
    %eq3A_48 = vector.broadcast %slice3A_44 : vector<128x1xf32> to vector<128x128xf32>
    %eq3A_49 = vector.broadcast %slice3A_43 : vector<1x128xf32> to vector<128x128xf32>
    %eq3A_50 = arith.cmpf oeq, %eq3A_48, %eq3A_49 : vector<128x128xf32>
    %and3A_51 = arith.andi %eq3A_50, %lt3A : vector<128x128xi1>
    %or3A_52 = arith.ori %lt3A_47, %and3A_51 : vector<128x128xi1>
    %convert_element_type3A_53 = arith.extui %or3A_52 : vector<128x128xi1> to vector<128x128xi32>
    %reduce_sum3A_54 = arith.constant dense<0> : vector<128xi32>
    %reduce_sum3A_55 = vector.multi_reduction <add>, %convert_element_type3A_53, %reduce_sum3A_54 [0] : vector<128x128xi32> to vector<128xi32>
    %broadcast_in_dim3A_56 = vector.shape_cast %reduce_sum3A_55 : vector<128xi32> to vector<1x128xi32>
    %eq3A_57 = vector.broadcast %broadcast_in_dim3A_56 : vector<1x128xi32> to vector<128x128xi32>
    %eq3A_58 = arith.cmpi eq, %iota3A, %eq3A_57 : vector<128x128xi32>
    %convert_element_type3A_59 = arith.extui %eq3A_58 : vector<128x128xi1> to vector<128x128xi32>
    %convert_element_type3A_60 = arith.sitofp %convert_element_type3A_59 : vector<128x128xi32> to vector<128x128xf32>
    %swap3A_61 = arith.constant 2 : index
    %swap3A_62 = arith.constant 0 : index
    %swap3A_63 = arith.constant 0 : index
    %swap3A_64 = vector.load %arg7[%swap3A_61, %swap3A_62, %swap3A_63] : memref<32x128x128xf32, #tpu.memory_space<vmem>>, vector<1x128x128xf32>
    %swap3A_65 = vector.shape_cast %swap3A_64 : vector<1x128x128xf32> to vector<128x128xf32>
    %swap3A_66 = vector.shape_cast %convert_element_type3A_60 : vector<128x128xf32> to vector<1x128x128xf32>
    tpu.vector_store %arg7[%swap3A_61, %swap3A_62, %swap3A_63], %swap3A_66 {strides = array<i32>} : memref<32x128x128xf32, #tpu.memory_space<vmem>>, vector<1x128x128xf32>,
    %slice3A_67 = vector.extract_strided_slice %get3A_2 {offsets = [3, 0], sizes = [1, 128], strides = [1, 1]} : vector<32x128xf32> to vector<1x128xf32>
    %slice3A_68 = vector.extract_strided_slice %transpose3A {offsets = [0, 3], sizes = [128, 1], strides = [1, 1]} : vector<128x32xf32> to vector<128x1xf32>
    %lt3A_69 = vector.broadcast %slice3A_68 : vector<128x1xf32> to vector<128x128xf32>
    %lt3A_70 = vector.broadcast %slice3A_67 : vector<1x128xf32> to vector<128x128xf32>
    %lt3A_71 = arith.cmpf olt, %lt3A_69, %lt3A_70 : vector<128x128xf32>
    %eq3A_72 = vector.broadcast %slice3A_68 : vector<128x1xf32> to vector<128x128xf32>
    %eq3A_73 = vector.broadcast %slice3A_67 : vector<1x128xf32> to vector<128x128xf32>
    %eq3A_74 = arith.cmpf oeq, %eq3A_72, %eq3A_73 : vector<128x128xf32>
    %and3A_75 = arith.andi %eq3A_74, %lt3A : vector<128x128xi1>
    %or3A_76 = arith.ori %lt3A_71, %and3A_75 : vector<128x128xi1>
    %convert_element_type3A_77 = arith.extui %or3A_76 : vector<128x128xi1> to vector<128x128xi32>
    %reduce_sum3A_78 = arith.constant dense<0> : vector<128xi32>
    %reduce_sum3A_79 = vector.multi_reduction <add>, %convert_element_type3A_77, %reduce_sum3A_78 [0] : vector<128x128xi32> to vector<128xi32>
    %broadcast_in_dim3A_80 = vector.shape_cast %reduce_sum3A_79 : vector<128xi32> to vector<1x128xi32>
    %eq3A_81 = vector.broadcast %broadcast_in_dim3A_80 : vector<1x128xi32> to vector<128x128xi32>
    %eq3A_82 = arith.cmpi eq, %iota3A, %eq3A_81 : vector<128x128xi32>
    %convert_element_type3A_83 = arith.extui %eq3A_82 : vector<128x128xi1> to vector<128x128xi32>
    %convert_element_type3A_84 = arith.sitofp %convert_element_type3A_83 : vector<128x128xi32> to vector<128x128xf32>
    %swap3A_85 = arith.constant 3 : index
    %swap3A_86 = arith.constant 0 : index
    %swap3A_87 = arith.constant 0 : index
    %swap3A_88 = vector.load %arg7[%swap3A_85, %swap3A_86, %swap3A_87] : memref<32x128x128xf32, #tpu.memory_space<vmem>>, vector<1x128x128xf32>
    %swap3A_89 = vector.shape_cast %swap3A_88 : vector<1x128x128xf32> to vector<128x128xf32>
    %swap3A_90 = vector.shape_cast %convert_element_type3A_84 : vector<128x128xf32> to vector<1x128x128xf32>
    tpu.vector_store %arg7[%swap3A_85, %swap3A_86, %swap3A_87], %swap3A_90 {strides = array<i32>} : memref<32x128x128xf32, #tpu.memory_space<vmem>>, vector<1x128x128xf32>,
    %slice3A_91 = vector.extract_strided_slice %get3A_2 {offsets = [4, 0], sizes = [1, 128], strides = [1, 1]} : vector<32x128xf32> to vector<1x128xf32>
    %slice3A_92 = vector.extract_strided_slice %transpose3A {offsets = [0, 4], sizes = [128, 1], strides = [1, 1]} : vector<128x32xf32> to vector<128x1xf32>
    %lt3A_93 = vector.broadcast %slice3A_92 : vector<128x1xf32> to vector<128x128xf32>
    %lt3A_94 = vector.broadcast %slice3A_91 : vector<1x128xf32> to vector<128x128xf32>
    %lt3A_95 = arith.cmpf olt, %lt3A_93, %lt3A_94 : vector<128x128xf32>
    %eq3A_96 = vector.broadcast %slice3A_92 : vector<128x1xf32> to vector<128x128xf32>
    %eq3A_97 = vector.broadcast %slice3A_91 : vector<1x128xf32> to vector<128x128xf32>
    %eq3A_98 = arith.cmpf oeq, %eq3A_96, %eq3A_97 : vector<128x128xf32>
    %and3A_99 = arith.andi %eq3A_98, %lt3A : vector<128x128xi1>
    %or3A_100 = arith.ori %lt3A_95, %and3A_99 : vector<128x128xi1>
    %convert_element_type3A_101 = arith.extui %or3A_100 : vector<128x128xi1> to vector<128x128xi32>
    %reduce_sum3A_102 = arith.constant dense<0> : vector<128xi32>
    %reduce_sum3A_103 = vector.multi_reduction <add>, %convert_element_type3A_101, %reduce_sum3A_102 [0] : vector<128x128xi32> to vector<128xi32>
    %broadcast_in_dim3A_104 = vector.shape_cast %reduce_sum3A_103 : vector<128xi32> to vector<1x128xi32>
    %eq3A_105 = vector.broadcast %broadcast_in_dim3A_104 : vector<1x128xi32> to vector<128x128xi32>
    %eq3A_106 = arith.cmpi eq, %iota3A, %eq3A_105 : vector<128x128xi32>
    %convert_element_type3A_107 = arith.extui %eq3A_106 : vector<128x128xi1> to vector<128x128xi32>
    %convert_element_type3A_108 = arith.sitofp %convert_element_type3A_107 : vector<128x128xi32> to vector<128x128xf32>
    %swap3A_109 = arith.constant 4 : index
    %swap3A_110 = arith.constant 0 : index
    %swap3A_111 = arith.constant 0 : index
    %swap3A_112 = vector.load %arg7[%swap3A_109, %swap3A_110, %swap3A_111] : memref<32x128x128xf32, #tpu.memory_space<vmem>>, vector<1x128x128xf32>
    %swap3A_113 = vector.shape_cast %swap3A_112 : vector<1x128x128xf32> to vector<128x128xf32>
    %swap3A_114 = vector.shape_cast %convert_element_type3A_108 : vector<128x128xf32> to vector<1x128x128xf32>
    tpu.vector_store %arg7[%swap3A_109, %swap3A_110, %swap3A_111], %swap3A_114 {strides = array<i32>} : memref<32x128x128xf32, #tpu.memory_space<vmem>>, vector<1x128x128xf32>,
    %slice3A_115 = vector.extract_strided_slice %get3A_2 {offsets = [5, 0], sizes = [1, 128], strides = [1, 1]} : vector<32x128xf32> to vector<1x128xf32>
    %slice3A_116 = vector.extract_strided_slice %transpose3A {offsets = [0, 5], sizes = [128, 1], strides = [1, 1]} : vector<128x32xf32> to vector<128x1xf32>
    %lt3A_117 = vector.broadcast %slice3A_116 : vector<128x1xf32> to vector<128x128xf32>
    %lt3A_118 = vector.broadcast %slice3A_115 : vector<1x128xf32> to vector<128x128xf32>
    %lt3A_119 = arith.cmpf olt, %lt3A_117, %lt3A_118 : vector<128x128xf32>
    %eq3A_120 = vector.broadcast %slice3A_116 : vector<128x1xf32> to vector<128x128xf32>
    %eq3A_121 = vector.broadcast %slice3A_115 : vector<1x128xf32> to vector<128x128xf32>
    %eq3A_122 = arith.cmpf oeq, %eq3A_120, %eq3A_121 : vector<128x128xf32>
    %and3A_123 = arith.andi %eq3A_122, %lt3A : vector<128x128xi1>
    %or3A_124 = arith.ori %lt3A_119, %and3A_123 : vector<128x128xi1>
    %convert_element_type3A_125 = arith.extui %or3A_124 : vector<128x128xi1> to vector<128x128xi32>
    %reduce_sum3A_126 = arith.constant dense<0> : vector<128xi32>
    %reduce_sum3A_127 = vector.multi_reduction <add>, %convert_element_type3A_125, %reduce_sum3A_126 [0] : vector<128x128xi32> to vector<128xi32>
    %broadcast_in_dim3A_128 = vector.shape_cast %reduce_sum3A_127 : vector<128xi32> to vector<1x128xi32>
    %eq3A_129 = vector.broadcast %broadcast_in_dim3A_128 : vector<1x128xi32> to vector<128x128xi32>
    %eq3A_130 = arith.cmpi eq, %iota3A, %eq3A_129 : vector<128x128xi32>
    %convert_element_type3A_131 = arith.extui %eq3A_130 : vector<128x128xi1> to vector<128x128xi32>
    %convert_element_type3A_132 = arith.sitofp %convert_element_type3A_131 : vector<128x128xi32> to vector<128x128xf32>
    %swap3A_133 = arith.constant 5 : index
    %swap3A_134 = arith.constant 0 : index
    %swap3A_135 = arith.constant 0 : index
    %swap3A_136 = vector.load %arg7[%swap3A_133, %swap3A_134, %swap3A_135] : memref<32x128x128xf32, #tpu.memory_space<vmem>>, vector<1x128x128xf32>
    %swap3A_137 = vector.shape_cast %swap3A_136 : vector<1x128x128xf32> to vector<128x128xf32>
    %swap3A_138 = vector.shape_cast %convert_element_type3A_132 : vector<128x128xf32> to vector<1x128x128xf32>
    tpu.vector_store %arg7[%swap3A_133, %swap3A_134, %swap3A_135], %swap3A_138 {strides = array<i32>} : memref<32x128x128xf32, #tpu.memory_space<vmem>>, vector<1x128x128xf32>,
    %slice3A_139 = vector.extract_strided_slice %get3A_2 {offsets = [6, 0], sizes = [1, 128], strides = [1, 1]} : vector<32x128xf32> to vector<1x128xf32>
    %slice3A_140 = vector.extract_strided_slice %transpose3A {offsets = [0, 6], sizes = [128, 1], strides = [1, 1]} : vector<128x32xf32> to vector<128x1xf32>
    %lt3A_141 = vector.broadcast %slice3A_140 : vector<128x1xf32> to vector<128x128xf32>
    %lt3A_142 = vector.broadcast %slice3A_139 : vector<1x128xf32> to vector<128x128xf32>
    %lt3A_143 = arith.cmpf olt, %lt3A_141, %lt3A_142 : vector<128x128xf32>
    %eq3A_144 = vector.broadcast %slice3A_140 : vector<128x1xf32> to vector<128x128xf32>
    %eq3A_145 = vector.broadcast %slice3A_139 : vector<1x128xf32> to vector<128x128xf32>
    %eq3A_146 = arith.cmpf oeq, %eq3A_144, %eq3A_145 : vector<128x128xf32>
    %and3A_147 = arith.andi %eq3A_146, %lt3A : vector<128x128xi1>
    %or3A_148 = arith.ori %lt3A_143, %and3A_147 : vector<128x128xi1>
    %convert_element_type3A_149 = arith.extui %or3A_148 : vector<128x128xi1> to vector<128x128xi32>
    %reduce_sum3A_150 = arith.constant dense<0> : vector<128xi32>
    %reduce_sum3A_151 = vector.multi_reduction <add>, %convert_element_type3A_149, %reduce_sum3A_150 [0] : vector<128x128xi32> to vector<128xi32>
    %broadcast_in_dim3A_152 = vector.shape_cast %reduce_sum3A_151 : vector<128xi32> to vector<1x128xi32>
    %eq3A_153 = vector.broadcast %broadcast_in_dim3A_152 : vector<1x128xi32> to vector<128x128xi32>
    %eq3A_154 = arith.cmpi eq, %iota3A, %eq3A_153 : vector<128x128xi32>
    %convert_element_type3A_155 = arith.extui %eq3A_154 : vector<128x128xi1> to vector<128x128xi32>
    %convert_element_type3A_156 = arith.sitofp %convert_element_type3A_155 : vector<128x128xi32> to vector<128x128xf32>
    %swap3A_157 = arith.constant 6 : index
    %swap3A_158 = arith.constant 0 : index
    %swap3A_159 = arith.constant 0 : index
    %swap3A_160 = vector.load %arg7[%swap3A_157, %swap3A_158, %swap3A_159] : memref<32x128x128xf32, #tpu.memory_space<vmem>>, vector<1x128x128xf32>
    %swap3A_161 = vector.shape_cast %swap3A_160 : vector<1x128x128xf32> to vector<128x128xf32>
    %swap3A_162 = vector.shape_cast %convert_element_type3A_156 : vector<128x128xf32> to vector<1x128x128xf32>
    tpu.vector_store %arg7[%swap3A_157, %swap3A_158, %swap3A_159], %swap3A_162 {strides = array<i32>} : memref<32x128x128xf32, #tpu.memory_space<vmem>>, vector<1x128x128xf32>,
    %slice3A_163 = vector.extract_strided_slice %get3A_2 {offsets = [7, 0], sizes = [1, 128], strides = [1, 1]} : vector<32x128xf32> to vector<1x128xf32>
    %slice3A_164 = vector.extract_strided_slice %transpose3A {offsets = [0, 7], sizes = [128, 1], strides = [1, 1]} : vector<128x32xf32> to vector<128x1xf32>
    %lt3A_165 = vector.broadcast %slice3A_164 : vector<128x1xf32> to vector<128x128xf32>
    %lt3A_166 = vector.broadcast %slice3A_163 : vector<1x128xf32> to vector<128x128xf32>
    %lt3A_167 = arith.cmpf olt, %lt3A_165, %lt3A_166 : vector<128x128xf32>
    %eq3A_168 = vector.broadcast %slice3A_164 : vector<128x1xf32> to vector<128x128xf32>
    %eq3A_169 = vector.broadcast %slice3A_163 : vector<1x128xf32> to vector<128x128xf32>
    %eq3A_170 = arith.cmpf oeq, %eq3A_168, %eq3A_169 : vector<128x128xf32>
    %and3A_171 = arith.andi %eq3A_170, %lt3A : vector<128x128xi1>
    %or3A_172 = arith.ori %lt3A_167, %and3A_171 : vector<128x128xi1>
    %convert_element_type3A_173 = arith.extui %or3A_172 : vector<128x128xi1> to vector<128x128xi32>
    %reduce_sum3A_174 = arith.constant dense<0> : vector<128xi32>
    %reduce_sum3A_175 = vector.multi_reduction <add>, %convert_element_type3A_173, %reduce_sum3A_174 [0] : vector<128x128xi32> to vector<128xi32>
    %broadcast_in_dim3A_176 = vector.shape_cast %reduce_sum3A_175 : vector<128xi32> to vector<1x128xi32>
    %eq3A_177 = vector.broadcast %broadcast_in_dim3A_176 : vector<1x128xi32> to vector<128x128xi32>
    %eq3A_178 = arith.cmpi eq, %iota3A, %eq3A_177 : vector<128x128xi32>
    %convert_element_type3A_179 = arith.extui %eq3A_178 : vector<128x128xi1> to vector<128x128xi32>
    %convert_element_type3A_180 = arith.sitofp %convert_element_type3A_179 : vector<128x128xi32> to vector<128x128xf32>
    %swap3A_181 = arith.constant 7 : index
    %swap3A_182 = arith.constant 0 : index
    %swap3A_183 = arith.constant 0 : index
    %swap3A_184 = vector.load %arg7[%swap3A_181, %swap3A_182, %swap3A_183] : memref<32x128x128xf32, #tpu.memory_space<vmem>>, vector<1x128x128xf32>
    %swap3A_185 = vector.shape_cast %swap3A_184 : vector<1x128x128xf32> to vector<128x128xf32>
    %swap3A_186 = vector.shape_cast %convert_element_type3A_180 : vector<128x128xf32> to vector<1x128x128xf32>
    tpu.vector_store %arg7[%swap3A_181, %swap3A_182, %swap3A_183], %swap3A_186 {strides = array<i32>} : memref<32x128x128xf32, #tpu.memory_space<vmem>>, vector<1x128x128xf32>,
    %slice3A_187 = vector.extract_strided_slice %get3A_2 {offsets = [8, 0], sizes = [1, 128], strides = [1, 1]} : vector<32x128xf32> to vector<1x128xf32>
    %slice3A_188 = vector.extract_strided_slice %transpose3A {offsets = [0, 8], sizes = [128, 1], strides = [1, 1]} : vector<128x32xf32> to vector<128x1xf32>
    %lt3A_189 = vector.broadcast %slice3A_188 : vector<128x1xf32> to vector<128x128xf32>
    %lt3A_190 = vector.broadcast %slice3A_187 : vector<1x128xf32> to vector<128x128xf32>
    %lt3A_191 = arith.cmpf olt, %lt3A_189, %lt3A_190 : vector<128x128xf32>
    %eq3A_192 = vector.broadcast %slice3A_188 : vector<128x1xf32> to vector<128x128xf32>
    %eq3A_193 = vector.broadcast %slice3A_187 : vector<1x128xf32> to vector<128x128xf32>
    %eq3A_194 = arith.cmpf oeq, %eq3A_192, %eq3A_193 : vector<128x128xf32>
    %and3A_195 = arith.andi %eq3A_194, %lt3A : vector<128x128xi1>
    %or3A_196 = arith.ori %lt3A_191, %and3A_195 : vector<128x128xi1>
    %convert_element_type3A_197 = arith.extui %or3A_196 : vector<128x128xi1> to vector<128x128xi32>
    %reduce_sum3A_198 = arith.constant dense<0> : vector<128xi32>
    %reduce_sum3A_199 = vector.multi_reduction <add>, %convert_element_type3A_197, %reduce_sum3A_198 [0] : vector<128x128xi32> to vector<128xi32>
    %broadcast_in_dim3A_200 = vector.shape_cast %reduce_sum3A_199 : vector<128xi32> to vector<1x128xi32>
    %eq3A_201 = vector.broadcast %broadcast_in_dim3A_200 : vector<1x128xi32> to vector<128x128xi32>
    %eq3A_202 = arith.cmpi eq, %iota3A, %eq3A_201 : vector<128x128xi32>
    %convert_element_type3A_203 = arith.extui %eq3A_202 : vector<128x128xi1> to vector<128x128xi32>
    %convert_element_type3A_204 = arith.sitofp %convert_element_type3A_203 : vector<128x128xi32> to vector<128x128xf32>
    %swap3A_205 = arith.constant 8 : index
    %swap3A_206 = arith.constant 0 : index
    %swap3A_207 = arith.constant 0 : index
    %swap3A_208 = vector.load %arg7[%swap3A_205, %swap3A_206, %swap3A_207] : memref<32x128x128xf32, #tpu.memory_space<vmem>>, vector<1x128x128xf32>
    %swap3A_209 = vector.shape_cast %swap3A_208 : vector<1x128x128xf32> to vector<128x128xf32>
    %swap3A_210 = vector.shape_cast %convert_element_type3A_204 : vector<128x128xf32> to vector<1x128x128xf32>
    tpu.vector_store %arg7[%swap3A_205, %swap3A_206, %swap3A_207], %swap3A_210 {strides = array<i32>} : memref<32x128x128xf32, #tpu.memory_space<vmem>>, vector<1x128x128xf32>,
    %slice3A_211 = vector.extract_strided_slice %get3A_2 {offsets = [9, 0], sizes = [1, 128], strides = [1, 1]} : vector<32x128xf32> to vector<1x128xf32>
    %slice3A_212 = vector.extract_strided_slice %transpose3A {offsets = [0, 9], sizes = [128, 1], strides = [1, 1]} : vector<128x32xf32> to vector<128x1xf32>
    %lt3A_213 = vector.broadcast %slice3A_212 : vector<128x1xf32> to vector<128x128xf32>
    %lt3A_214 = vector.broadcast %slice3A_211 : vector<1x128xf32> to vector<128x128xf32>
    %lt3A_215 = arith.cmpf olt, %lt3A_213, %lt3A_214 : vector<128x128xf32>
    %eq3A_216 = vector.broadcast %slice3A_212 : vector<128x1xf32> to vector<128x128xf32>
    %eq3A_217 = vector.broadcast %slice3A_211 : vector<1x128xf32> to vector<128x128xf32>
    %eq3A_218 = arith.cmpf oeq, %eq3A_216, %eq3A_217 : vector<128x128xf32>
    %and3A_219 = arith.andi %eq3A_218, %lt3A : vector<128x128xi1>
    %or3A_220 = arith.ori %lt3A_215, %and3A_219 : vector<128x128xi1>
    %convert_element_type3A_221 = arith.extui %or3A_220 : vector<128x128xi1> to vector<128x128xi32>
    %reduce_sum3A_222 = arith.constant dense<0> : vector<128xi32>
    %reduce_sum3A_223 = vector.multi_reduction <add>, %convert_element_type3A_221, %reduce_sum3A_222 [0] : vector<128x128xi32> to vector<128xi32>
    %broadcast_in_dim3A_224 = vector.shape_cast %reduce_sum3A_223 : vector<128xi32> to vector<1x128xi32>
    %eq3A_225 = vector.broadcast %broadcast_in_dim3A_224 : vector<1x128xi32> to vector<128x128xi32>
    %eq3A_226 = arith.cmpi eq, %iota3A, %eq3A_225 : vector<128x128xi32>
    %convert_element_type3A_227 = arith.extui %eq3A_226 : vector<128x128xi1> to vector<128x128xi32>
    %convert_element_type3A_228 = arith.sitofp %convert_element_type3A_227 : vector<128x128xi32> to vector<128x128xf32>
    %swap3A_229 = arith.constant 9 : index
    %swap3A_230 = arith.constant 0 : index
    %swap3A_231 = arith.constant 0 : index
    %swap3A_232 = vector.load %arg7[%swap3A_229, %swap3A_230, %swap3A_231] : memref<32x128x128xf32, #tpu.memory_space<vmem>>, vector<1x128x128xf32>
    %swap3A_233 = vector.shape_cast %swap3A_232 : vector<1x128x128xf32> to vector<128x128xf32>
    %swap3A_234 = vector.shape_cast %convert_element_type3A_228 : vector<128x128xf32> to vector<1x128x128xf32>
    tpu.vector_store %arg7[%swap3A_229, %swap3A_230, %swap3A_231], %swap3A_234 {strides = array<i32>} : memref<32x128x128xf32, #tpu.memory_space<vmem>>, vector<1x128x128xf32>,
    %slice3A_235 = vector.extract_strided_slice %get3A_2 {offsets = [10, 0], sizes = [1, 128], strides = [1, 1]} : vector<32x128xf32> to vector<1x128xf32>
    %slice3A_236 = vector.extract_strided_slice %transpose3A {offsets = [0, 10], sizes = [128, 1], strides = [1, 1]} : vector<128x32xf32> to vector<128x1xf32>
    %lt3A_237 = vector.broadcast %slice3A_236 : vector<128x1xf32> to vector<128x128xf32>
    %lt3A_238 = vector.broadcast %slice3A_235 : vector<1x128xf32> to vector<128x128xf32>
    %lt3A_239 = arith.cmpf olt, %lt3A_237, %lt3A_238 : vector<128x128xf32>
    %eq3A_240 = vector.broadcast %slice3A_236 : vector<128x1xf32> to vector<128x128xf32>
    %eq3A_241 = vector.broadcast %slice3A_235 : vector<1x128xf32> to vector<128x128xf32>
    %eq3A_242 = arith.cmpf oeq, %eq3A_240, %eq3A_241 : vector<128x128xf32>
    %and3A_243 = arith.andi %eq3A_242, %lt3A : vector<128x128xi1>
    %or3A_244 = arith.ori %lt3A_239, %and3A_243 : vector<128x128xi1>
    %convert_element_type3A_245 = arith.extui %or3A_244 : vector<128x128xi1> to vector<128x128xi32>
    %reduce_sum3A_246 = arith.constant dense<0> : vector<128xi32>
    %reduce_sum3A_247 = vector.multi_reduction <add>, %convert_element_type3A_245, %reduce_sum3A_246 [0] : vector<128x128xi32> to vector<128xi32>
    %broadcast_in_dim3A_248 = vector.shape_cast %reduce_sum3A_247 : vector<128xi32> to vector<1x128xi32>
    %eq3A_249 = vector.broadcast %broadcast_in_dim3A_248 : vector<1x128xi32> to vector<128x128xi32>
    %eq3A_250 = arith.cmpi eq, %iota3A, %eq3A_249 : vector<128x128xi32>
    %convert_element_type3A_251 = arith.extui %eq3A_250 : vector<128x128xi1> to vector<128x128xi32>
    %convert_element_type3A_252 = arith.sitofp %convert_element_type3A_251 : vector<128x128xi32> to vector<128x128xf32>
    %swap3A_253 = arith.constant 10 : index
    %swap3A_254 = arith.constant 0 : index
    %swap3A_255 = arith.constant 0 : index
    %swap3A_256 = vector.load %arg7[%swap3A_253, %swap3A_254, %swap3A_255] : memref<32x128x128xf32, #tpu.memory_space<vmem>>, vector<1x128x128xf32>
    %swap3A_257 = vector.shape_cast %swap3A_256 : vector<1x128x128xf32> to vector<128x128xf32>
    %swap3A_258 = vector.shape_cast %convert_element_type3A_252 : vector<128x128xf32> to vector<1x128x128xf32>
    tpu.vector_store %arg7[%swap3A_253, %swap3A_254, %swap3A_255], %swap3A_258 {strides = array<i32>} : memref<32x128x128xf32, #tpu.memory_space<vmem>>, vector<1x128x128xf32>,
    %slice3A_259 = vector.extract_strided_slice %get3A_2 {offsets = [11, 0], sizes = [1, 128], strides = [1, 1]} : vector<32x128xf32> to vector<1x128xf32>
    %slice3A_260 = vector.extract_strided_slice %transpose3A {offsets = [0, 11], sizes = [128, 1], strides = [1, 1]} : vector<128x32xf32> to vector<128x1xf32>
    %lt3A_261 = vector.broadcast %slice3A_260 : vector<128x1xf32> to vector<128x128xf32>
    %lt3A_262 = vector.broadcast %slice3A_259 : vector<1x128xf32> to vector<128x128xf32>
    %lt3A_263 = arith.cmpf olt, %lt3A_261, %lt3A_262 : vector<128x128xf32>
    %eq3A_264 = vector.broadcast %slice3A_260 : vector<128x1xf32> to vector<128x128xf32>
    %eq3A_265 = vector.broadcast %slice3A_259 : vector<1x128xf32> to vector<128x128xf32>
    %eq3A_266 = arith.cmpf oeq, %eq3A_264, %eq3A_265 : vector<128x128xf32>
    %and3A_267 = arith.andi %eq3A_266, %lt3A : vector<128x128xi1>
    %or3A_268 = arith.ori %lt3A_263, %and3A_267 : vector<128x128xi1>
    %convert_element_type3A_269 = arith.extui %or3A_268 : vector<128x128xi1> to vector<128x128xi32>
    %reduce_sum3A_270 = arith.constant dense<0> : vector<128xi32>
    %reduce_sum3A_271 = vector.multi_reduction <add>, %convert_element_type3A_269, %reduce_sum3A_270 [0] : vector<128x128xi32> to vector<128xi32>
    %broadcast_in_dim3A_272 = vector.shape_cast %reduce_sum3A_271 : vector<128xi32> to vector<1x128xi32>
    %eq3A_273 = vector.broadcast %broadcast_in_dim3A_272 : vector<1x128xi32> to vector<128x128xi32>
    %eq3A_274 = arith.cmpi eq, %iota3A, %eq3A_273 : vector<128x128xi32>
    %convert_element_type3A_275 = arith.extui %eq3A_274 : vector<128x128xi1> to vector<128x128xi32>
    %convert_element_type3A_276 = arith.sitofp %convert_element_type3A_275 : vector<128x128xi32> to vector<128x128xf32>
    %swap3A_277 = arith.constant 11 : index
    %swap3A_278 = arith.constant 0 : index
    %swap3A_279 = arith.constant 0 : index
    %swap3A_280 = vector.load %arg7[%swap3A_277, %swap3A_278, %swap3A_279] : memref<32x128x128xf32, #tpu.memory_space<vmem>>, vector<1x128x128xf32>
    %swap3A_281 = vector.shape_cast %swap3A_280 : vector<1x128x128xf32> to vector<128x128xf32>
    %swap3A_282 = vector.shape_cast %convert_element_type3A_276 : vector<128x128xf32> to vector<1x128x128xf32>
    tpu.vector_store %arg7[%swap3A_277, %swap3A_278, %swap3A_279], %swap3A_282 {strides = array<i32>} : memref<32x128x128xf32, #tpu.memory_space<vmem>>, vector<1x128x128xf32>,
    %slice3A_283 = vector.extract_strided_slice %get3A_2 {offsets = [12, 0], sizes = [1, 128], strides = [1, 1]} : vector<32x128xf32> to vector<1x128xf32>
    %slice3A_284 = vector.extract_strided_slice %transpose3A {offsets = [0, 12], sizes = [128, 1], strides = [1, 1]} : vector<128x32xf32> to vector<128x1xf32>
    %lt3A_285 = vector.broadcast %slice3A_284 : vector<128x1xf32> to vector<128x128xf32>
    %lt3A_286 = vector.broadcast %slice3A_283 : vector<1x128xf32> to vector<128x128xf32>
    %lt3A_287 = arith.cmpf olt, %lt3A_285, %lt3A_286 : vector<128x128xf32>
    %eq3A_288 = vector.broadcast %slice3A_284 : vector<128x1xf32> to vector<128x128xf32>
    %eq3A_289 = vector.broadcast %slice3A_283 : vector<1x128xf32> to vector<128x128xf32>
    %eq3A_290 = arith.cmpf oeq, %eq3A_288, %eq3A_289 : vector<128x128xf32>
    %and3A_291 = arith.andi %eq3A_290, %lt3A : vector<128x128xi1>
    %or3A_292 = arith.ori %lt3A_287, %and3A_291 : vector<128x128xi1>
    %convert_element_type3A_293 = arith.extui %or3A_292 : vector<128x128xi1> to vector<128x128xi32>
    %reduce_sum3A_294 = arith.constant dense<0> : vector<128xi32>
    %reduce_sum3A_295 = vector.multi_reduction <add>, %convert_element_type3A_293, %reduce_sum3A_294 [0] : vector<128x128xi32> to vector<128xi32>
    %broadcast_in_dim3A_296 = vector.shape_cast %reduce_sum3A_295 : vector<128xi32> to vector<1x128xi32>
    %eq3A_297 = vector.broadcast %broadcast_in_dim3A_296 : vector<1x128xi32> to vector<128x128xi32>
    %eq3A_298 = arith.cmpi eq, %iota3A, %eq3A_297 : vector<128x128xi32>
    %convert_element_type3A_299 = arith.extui %eq3A_298 : vector<128x128xi1> to vector<128x128xi32>
    %convert_element_type3A_300 = arith.sitofp %convert_element_type3A_299 : vector<128x128xi32> to vector<128x128xf32>
    %swap3A_301 = arith.constant 12 : index
    %swap3A_302 = arith.constant 0 : index
    %swap3A_303 = arith.constant 0 : index
    %swap3A_304 = vector.load %arg7[%swap3A_301, %swap3A_302, %swap3A_303] : memref<32x128x128xf32, #tpu.memory_space<vmem>>, vector<1x128x128xf32>
    %swap3A_305 = vector.shape_cast %swap3A_304 : vector<1x128x128xf32> to vector<128x128xf32>
    %swap3A_306 = vector.shape_cast %convert_element_type3A_300 : vector<128x128xf32> to vector<1x128x128xf32>
    tpu.vector_store %arg7[%swap3A_301, %swap3A_302, %swap3A_303], %swap3A_306 {strides = array<i32>} : memref<32x128x128xf32, #tpu.memory_space<vmem>>, vector<1x128x128xf32>,
    %slice3A_307 = vector.extract_strided_slice %get3A_2 {offsets = [13, 0], sizes = [1, 128], strides = [1, 1]} : vector<32x128xf32> to vector<1x128xf32>
    %slice3A_308 = vector.extract_strided_slice %transpose3A {offsets = [0, 13], sizes = [128, 1], strides = [1, 1]} : vector<128x32xf32> to vector<128x1xf32>
    %lt3A_309 = vector.broadcast %slice3A_308 : vector<128x1xf32> to vector<128x128xf32>
    %lt3A_310 = vector.broadcast %slice3A_307 : vector<1x128xf32> to vector<128x128xf32>
    %lt3A_311 = arith.cmpf olt, %lt3A_309, %lt3A_310 : vector<128x128xf32>
    %eq3A_312 = vector.broadcast %slice3A_308 : vector<128x1xf32> to vector<128x128xf32>
    %eq3A_313 = vector.broadcast %slice3A_307 : vector<1x128xf32> to vector<128x128xf32>
    %eq3A_314 = arith.cmpf oeq, %eq3A_312, %eq3A_313 : vector<128x128xf32>
    %and3A_315 = arith.andi %eq3A_314, %lt3A : vector<128x128xi1>
    %or3A_316 = arith.ori %lt3A_311, %and3A_315 : vector<128x128xi1>
    %convert_element_type3A_317 = arith.extui %or3A_316 : vector<128x128xi1> to vector<128x128xi32>
    %reduce_sum3A_318 = arith.constant dense<0> : vector<128xi32>
    %reduce_sum3A_319 = vector.multi_reduction <add>, %convert_element_type3A_317, %reduce_sum3A_318 [0] : vector<128x128xi32> to vector<128xi32>
    %broadcast_in_dim3A_320 = vector.shape_cast %reduce_sum3A_319 : vector<128xi32> to vector<1x128xi32>
    %eq3A_321 = vector.broadcast %broadcast_in_dim3A_320 : vector<1x128xi32> to vector<128x128xi32>
    %eq3A_322 = arith.cmpi eq, %iota3A, %eq3A_321 : vector<128x128xi32>
    %convert_element_type3A_323 = arith.extui %eq3A_322 : vector<128x128xi1> to vector<128x128xi32>
    %convert_element_type3A_324 = arith.sitofp %convert_element_type3A_323 : vector<128x128xi32> to vector<128x128xf32>
    %swap3A_325 = arith.constant 13 : index
    %swap3A_326 = arith.constant 0 : index
    %swap3A_327 = arith.constant 0 : index
    %swap3A_328 = vector.load %arg7[%swap3A_325, %swap3A_326, %swap3A_327] : memref<32x128x128xf32, #tpu.memory_space<vmem>>, vector<1x128x128xf32>
    %swap3A_329 = vector.shape_cast %swap3A_328 : vector<1x128x128xf32> to vector<128x128xf32>
    %swap3A_330 = vector.shape_cast %convert_element_type3A_324 : vector<128x128xf32> to vector<1x128x128xf32>
    tpu.vector_store %arg7[%swap3A_325, %swap3A_326, %swap3A_327], %swap3A_330 {strides = array<i32>} : memref<32x128x128xf32, #tpu.memory_space<vmem>>, vector<1x128x128xf32>,
    %slice3A_331 = vector.extract_strided_slice %get3A_2 {offsets = [14, 0], sizes = [1, 128], strides = [1, 1]} : vector<32x128xf32> to vector<1x128xf32>
    %slice3A_332 = vector.extract_strided_slice %transpose3A {offsets = [0, 14], sizes = [128, 1], strides = [1, 1]} : vector<128x32xf32> to vector<128x1xf32>
    %lt3A_333 = vector.broadcast %slice3A_332 : vector<128x1xf32> to vector<128x128xf32>
    %lt3A_334 = vector.broadcast %slice3A_331 : vector<1x128xf32> to vector<128x128xf32>
    %lt3A_335 = arith.cmpf olt, %lt3A_333, %lt3A_334 : vector<128x128xf32>
    %eq3A_336 = vector.broadcast %slice3A_332 : vector<128x1xf32> to vector<128x128xf32>
    %eq3A_337 = vector.broadcast %slice3A_331 : vector<1x128xf32> to vector<128x128xf32>
    %eq3A_338 = arith.cmpf oeq, %eq3A_336, %eq3A_337 : vector<128x128xf32>
    %and3A_339 = arith.andi %eq3A_338, %lt3A : vector<128x128xi1>
    %or3A_340 = arith.ori %lt3A_335, %and3A_339 : vector<128x128xi1>
    %convert_element_type3A_341 = arith.extui %or3A_340 : vector<128x128xi1> to vector<128x128xi32>
    %reduce_sum3A_342 = arith.constant dense<0> : vector<128xi32>
    %reduce_sum3A_343 = vector.multi_reduction <add>, %convert_element_type3A_341, %reduce_sum3A_342 [0] : vector<128x128xi32> to vector<128xi32>
    %broadcast_in_dim3A_344 = vector.shape_cast %reduce_sum3A_343 : vector<128xi32> to vector<1x128xi32>
    %eq3A_345 = vector.broadcast %broadcast_in_dim3A_344 : vector<1x128xi32> to vector<128x128xi32>
    %eq3A_346 = arith.cmpi eq, %iota3A, %eq3A_345 : vector<128x128xi32>
    %convert_element_type3A_347 = arith.extui %eq3A_346 : vector<128x128xi1> to vector<128x128xi32>
    %convert_element_type3A_348 = arith.sitofp %convert_element_type3A_347 : vector<128x128xi32> to vector<128x128xf32>
    %swap3A_349 = arith.constant 14 : index
    %swap3A_350 = arith.constant 0 : index
    %swap3A_351 = arith.constant 0 : index
    %swap3A_352 = vector.load %arg7[%swap3A_349, %swap3A_350, %swap3A_351] : memref<32x128x128xf32, #tpu.memory_space<vmem>>, vector<1x128x128xf32>
    %swap3A_353 = vector.shape_cast %swap3A_352 : vector<1x128x128xf32> to vector<128x128xf32>
    %swap3A_354 = vector.shape_cast %convert_element_type3A_348 : vector<128x128xf32> to vector<1x128x128xf32>
    tpu.vector_store %arg7[%swap3A_349, %swap3A_350, %swap3A_351], %swap3A_354 {strides = array<i32>} : memref<32x128x128xf32, #tpu.memory_space<vmem>>, vector<1x128x128xf32>,
    %slice3A_355 = vector.extract_strided_slice %get3A_2 {offsets = [15, 0], sizes = [1, 128], strides = [1, 1]} : vector<32x128xf32> to vector<1x128xf32>
    %slice3A_356 = vector.extract_strided_slice %transpose3A {offsets = [0, 15], sizes = [128, 1], strides = [1, 1]} : vector<128x32xf32> to vector<128x1xf32>
    %lt3A_357 = vector.broadcast %slice3A_356 : vector<128x1xf32> to vector<128x128xf32>
    %lt3A_358 = vector.broadcast %slice3A_355 : vector<1x128xf32> to vector<128x128xf32>
    %lt3A_359 = arith.cmpf olt, %lt3A_357, %lt3A_358 : vector<128x128xf32>
    %eq3A_360 = vector.broadcast %slice3A_356 : vector<128x1xf32> to vector<128x128xf32>
    %eq3A_361 = vector.broadcast %slice3A_355 : vector<1x128xf32> to vector<128x128xf32>
    %eq3A_362 = arith.cmpf oeq, %eq3A_360, %eq3A_361 : vector<128x128xf32>
    %and3A_363 = arith.andi %eq3A_362, %lt3A : vector<128x128xi1>
    %or3A_364 = arith.ori %lt3A_359, %and3A_363 : vector<128x128xi1>
    %convert_element_type3A_365 = arith.extui %or3A_364 : vector<128x128xi1> to vector<128x128xi32>
    %reduce_sum3A_366 = arith.constant dense<0> : vector<128xi32>
    %reduce_sum3A_367 = vector.multi_reduction <add>, %convert_element_type3A_365, %reduce_sum3A_366 [0] : vector<128x128xi32> to vector<128xi32>
    %broadcast_in_dim3A_368 = vector.shape_cast %reduce_sum3A_367 : vector<128xi32> to vector<1x128xi32>
    %eq3A_369 = vector.broadcast %broadcast_in_dim3A_368 : vector<1x128xi32> to vector<128x128xi32>
    %eq3A_370 = arith.cmpi eq, %iota3A, %eq3A_369 : vector<128x128xi32>
    %convert_element_type3A_371 = arith.extui %eq3A_370 : vector<128x128xi1> to vector<128x128xi32>
    %convert_element_type3A_372 = arith.sitofp %convert_element_type3A_371 : vector<128x128xi32> to vector<128x128xf32>
    %swap3A_373 = arith.constant 15 : index
    %swap3A_374 = arith.constant 0 : index
    %swap3A_375 = arith.constant 0 : index
    %swap3A_376 = vector.load %arg7[%swap3A_373, %swap3A_374, %swap3A_375] : memref<32x128x128xf32, #tpu.memory_space<vmem>>, vector<1x128x128xf32>
    %swap3A_377 = vector.shape_cast %swap3A_376 : vector<1x128x128xf32> to vector<128x128xf32>
    %swap3A_378 = vector.shape_cast %convert_element_type3A_372 : vector<128x128xf32> to vector<1x128x128xf32>
    tpu.vector_store %arg7[%swap3A_373, %swap3A_374, %swap3A_375], %swap3A_378 {strides = array<i32>} : memref<32x128x128xf32, #tpu.memory_space<vmem>>, vector<1x128x128xf32>,
    %slice3A_379 = vector.extract_strided_slice %get3A_2 {offsets = [16, 0], sizes = [1, 128], strides = [1, 1]} : vector<32x128xf32> to vector<1x128xf32>
    %slice3A_380 = vector.extract_strided_slice %transpose3A {offsets = [0, 16], sizes = [128, 1], strides = [1, 1]} : vector<128x32xf32> to vector<128x1xf32>
    %lt3A_381 = vector.broadcast %slice3A_380 : vector<128x1xf32> to vector<128x128xf32>
    %lt3A_382 = vector.broadcast %slice3A_379 : vector<1x128xf32> to vector<128x128xf32>
    %lt3A_383 = arith.cmpf olt, %lt3A_381, %lt3A_382 : vector<128x128xf32>
    %eq3A_384 = vector.broadcast %slice3A_380 : vector<128x1xf32> to vector<128x128xf32>
    %eq3A_385 = vector.broadcast %slice3A_379 : vector<1x128xf32> to vector<128x128xf32>
    %eq3A_386 = arith.cmpf oeq, %eq3A_384, %eq3A_385 : vector<128x128xf32>
    %and3A_387 = arith.andi %eq3A_386, %lt3A : vector<128x128xi1>
    %or3A_388 = arith.ori %lt3A_383, %and3A_387 : vector<128x128xi1>
    %convert_element_type3A_389 = arith.extui %or3A_388 : vector<128x128xi1> to vector<128x128xi32>
    %reduce_sum3A_390 = arith.constant dense<0> : vector<128xi32>
    %reduce_sum3A_391 = vector.multi_reduction <add>, %convert_element_type3A_389, %reduce_sum3A_390 [0] : vector<128x128xi32> to vector<128xi32>
    %broadcast_in_dim3A_392 = vector.shape_cast %reduce_sum3A_391 : vector<128xi32> to vector<1x128xi32>
    %eq3A_393 = vector.broadcast %broadcast_in_dim3A_392 : vector<1x128xi32> to vector<128x128xi32>
    %eq3A_394 = arith.cmpi eq, %iota3A, %eq3A_393 : vector<128x128xi32>
    %convert_element_type3A_395 = arith.extui %eq3A_394 : vector<128x128xi1> to vector<128x128xi32>
    %convert_element_type3A_396 = arith.sitofp %convert_element_type3A_395 : vector<128x128xi32> to vector<128x128xf32>
    %swap3A_397 = arith.constant 16 : index
    %swap3A_398 = arith.constant 0 : index
    %swap3A_399 = arith.constant 0 : index
    %swap3A_400 = vector.load %arg7[%swap3A_397, %swap3A_398, %swap3A_399] : memref<32x128x128xf32, #tpu.memory_space<vmem>>, vector<1x128x128xf32>
    %swap3A_401 = vector.shape_cast %swap3A_400 : vector<1x128x128xf32> to vector<128x128xf32>
    %swap3A_402 = vector.shape_cast %convert_element_type3A_396 : vector<128x128xf32> to vector<1x128x128xf32>
    tpu.vector_store %arg7[%swap3A_397, %swap3A_398, %swap3A_399], %swap3A_402 {strides = array<i32>} : memref<32x128x128xf32, #tpu.memory_space<vmem>>, vector<1x128x128xf32>,
    %slice3A_403 = vector.extract_strided_slice %get3A_2 {offsets = [17, 0], sizes = [1, 128], strides = [1, 1]} : vector<32x128xf32> to vector<1x128xf32>
    %slice3A_404 = vector.extract_strided_slice %transpose3A {offsets = [0, 17], sizes = [128, 1], strides = [1, 1]} : vector<128x32xf32> to vector<128x1xf32>
    %lt3A_405 = vector.broadcast %slice3A_404 : vector<128x1xf32> to vector<128x128xf32>
    %lt3A_406 = vector.broadcast %slice3A_403 : vector<1x128xf32> to vector<128x128xf32>
    %lt3A_407 = arith.cmpf olt, %lt3A_405, %lt3A_406 : vector<128x128xf32>
    %eq3A_408 = vector.broadcast %slice3A_404 : vector<128x1xf32> to vector<128x128xf32>
    %eq3A_409 = vector.broadcast %slice3A_403 : vector<1x128xf32> to vector<128x128xf32>
    %eq3A_410 = arith.cmpf oeq, %eq3A_408, %eq3A_409 : vector<128x128xf32>
    %and3A_411 = arith.andi %eq3A_410, %lt3A : vector<128x128xi1>
    %or3A_412 = arith.ori %lt3A_407, %and3A_411 : vector<128x128xi1>
    %convert_element_type3A_413 = arith.extui %or3A_412 : vector<128x128xi1> to vector<128x128xi32>
    %reduce_sum3A_414 = arith.constant dense<0> : vector<128xi32>
    %reduce_sum3A_415 = vector.multi_reduction <add>, %convert_element_type3A_413, %reduce_sum3A_414 [0] : vector<128x128xi32> to vector<128xi32>
    %broadcast_in_dim3A_416 = vector.shape_cast %reduce_sum3A_415 : vector<128xi32> to vector<1x128xi32>
    %eq3A_417 = vector.broadcast %broadcast_in_dim3A_416 : vector<1x128xi32> to vector<128x128xi32>
    %eq3A_418 = arith.cmpi eq, %iota3A, %eq3A_417 : vector<128x128xi32>
    %convert_element_type3A_419 = arith.extui %eq3A_418 : vector<128x128xi1> to vector<128x128xi32>
    %convert_element_type3A_420 = arith.sitofp %convert_element_type3A_419 : vector<128x128xi32> to vector<128x128xf32>
    %swap3A_421 = arith.constant 17 : index
    %swap3A_422 = arith.constant 0 : index
    %swap3A_423 = arith.constant 0 : index
    %swap3A_424 = vector.load %arg7[%swap3A_421, %swap3A_422, %swap3A_423] : memref<32x128x128xf32, #tpu.memory_space<vmem>>, vector<1x128x128xf32>
    %swap3A_425 = vector.shape_cast %swap3A_424 : vector<1x128x128xf32> to vector<128x128xf32>
    %swap3A_426 = vector.shape_cast %convert_element_type3A_420 : vector<128x128xf32> to vector<1x128x128xf32>
    tpu.vector_store %arg7[%swap3A_421, %swap3A_422, %swap3A_423], %swap3A_426 {strides = array<i32>} : memref<32x128x128xf32, #tpu.memory_space<vmem>>, vector<1x128x128xf32>,
    %slice3A_427 = vector.extract_strided_slice %get3A_2 {offsets = [18, 0], sizes = [1, 128], strides = [1, 1]} : vector<32x128xf32> to vector<1x128xf32>
    %slice3A_428 = vector.extract_strided_slice %transpose3A {offsets = [0, 18], sizes = [128, 1], strides = [1, 1]} : vector<128x32xf32> to vector<128x1xf32>
    %lt3A_429 = vector.broadcast %slice3A_428 : vector<128x1xf32> to vector<128x128xf32>
    %lt3A_430 = vector.broadcast %slice3A_427 : vector<1x128xf32> to vector<128x128xf32>
    %lt3A_431 = arith.cmpf olt, %lt3A_429, %lt3A_430 : vector<128x128xf32>
    %eq3A_432 = vector.broadcast %slice3A_428 : vector<128x1xf32> to vector<128x128xf32>
    %eq3A_433 = vector.broadcast %slice3A_427 : vector<1x128xf32> to vector<128x128xf32>
    %eq3A_434 = arith.cmpf oeq, %eq3A_432, %eq3A_433 : vector<128x128xf32>
    %and3A_435 = arith.andi %eq3A_434, %lt3A : vector<128x128xi1>
    %or3A_436 = arith.ori %lt3A_431, %and3A_435 : vector<128x128xi1>
    %convert_element_type3A_437 = arith.extui %or3A_436 : vector<128x128xi1> to vector<128x128xi32>
    %reduce_sum3A_438 = arith.constant dense<0> : vector<128xi32>
    %reduce_sum3A_439 = vector.multi_reduction <add>, %convert_element_type3A_437, %reduce_sum3A_438 [0] : vector<128x128xi32> to vector<128xi32>
    %broadcast_in_dim3A_440 = vector.shape_cast %reduce_sum3A_439 : vector<128xi32> to vector<1x128xi32>
    %eq3A_441 = vector.broadcast %broadcast_in_dim3A_440 : vector<1x128xi32> to vector<128x128xi32>
    %eq3A_442 = arith.cmpi eq, %iota3A, %eq3A_441 : vector<128x128xi32>
    %convert_element_type3A_443 = arith.extui %eq3A_442 : vector<128x128xi1> to vector<128x128xi32>
    %convert_element_type3A_444 = arith.sitofp %convert_element_type3A_443 : vector<128x128xi32> to vector<128x128xf32>
    %swap3A_445 = arith.constant 18 : index
    %swap3A_446 = arith.constant 0 : index
    %swap3A_447 = arith.constant 0 : index
    %swap3A_448 = vector.load %arg7[%swap3A_445, %swap3A_446, %swap3A_447] : memref<32x128x128xf32, #tpu.memory_space<vmem>>, vector<1x128x128xf32>
    %swap3A_449 = vector.shape_cast %swap3A_448 : vector<1x128x128xf32> to vector<128x128xf32>
    %swap3A_450 = vector.shape_cast %convert_element_type3A_444 : vector<128x128xf32> to vector<1x128x128xf32>
    tpu.vector_store %arg7[%swap3A_445, %swap3A_446, %swap3A_447], %swap3A_450 {strides = array<i32>} : memref<32x128x128xf32, #tpu.memory_space<vmem>>, vector<1x128x128xf32>,
    %slice3A_451 = vector.extract_strided_slice %get3A_2 {offsets = [19, 0], sizes = [1, 128], strides = [1, 1]} : vector<32x128xf32> to vector<1x128xf32>
    %slice3A_452 = vector.extract_strided_slice %transpose3A {offsets = [0, 19], sizes = [128, 1], strides = [1, 1]} : vector<128x32xf32> to vector<128x1xf32>
    %lt3A_453 = vector.broadcast %slice3A_452 : vector<128x1xf32> to vector<128x128xf32>
    %lt3A_454 = vector.broadcast %slice3A_451 : vector<1x128xf32> to vector<128x128xf32>
    %lt3A_455 = arith.cmpf olt, %lt3A_453, %lt3A_454 : vector<128x128xf32>
    %eq3A_456 = vector.broadcast %slice3A_452 : vector<128x1xf32> to vector<128x128xf32>
    %eq3A_457 = vector.broadcast %slice3A_451 : vector<1x128xf32> to vector<128x128xf32>
    %eq3A_458 = arith.cmpf oeq, %eq3A_456, %eq3A_457 : vector<128x128xf32>
    %and3A_459 = arith.andi %eq3A_458, %lt3A : vector<128x128xi1>
    %or3A_460 = arith.ori %lt3A_455, %and3A_459 : vector<128x128xi1>
    %convert_element_type3A_461 = arith.extui %or3A_460 : vector<128x128xi1> to vector<128x128xi32>
    %reduce_sum3A_462 = arith.constant dense<0> : vector<128xi32>
    %reduce_sum3A_463 = vector.multi_reduction <add>, %convert_element_type3A_461, %reduce_sum3A_462 [0] : vector<128x128xi32> to vector<128xi32>
    %broadcast_in_dim3A_464 = vector.shape_cast %reduce_sum3A_463 : vector<128xi32> to vector<1x128xi32>
    %eq3A_465 = vector.broadcast %broadcast_in_dim3A_464 : vector<1x128xi32> to vector<128x128xi32>
    %eq3A_466 = arith.cmpi eq, %iota3A, %eq3A_465 : vector<128x128xi32>
    %convert_element_type3A_467 = arith.extui %eq3A_466 : vector<128x128xi1> to vector<128x128xi32>
    %convert_element_type3A_468 = arith.sitofp %convert_element_type3A_467 : vector<128x128xi32> to vector<128x128xf32>
    %swap3A_469 = arith.constant 19 : index
    %swap3A_470 = arith.constant 0 : index
    %swap3A_471 = arith.constant 0 : index
    %swap3A_472 = vector.load %arg7[%swap3A_469, %swap3A_470, %swap3A_471] : memref<32x128x128xf32, #tpu.memory_space<vmem>>, vector<1x128x128xf32>
    %swap3A_473 = vector.shape_cast %swap3A_472 : vector<1x128x128xf32> to vector<128x128xf32>
    %swap3A_474 = vector.shape_cast %convert_element_type3A_468 : vector<128x128xf32> to vector<1x128x128xf32>
    tpu.vector_store %arg7[%swap3A_469, %swap3A_470, %swap3A_471], %swap3A_474 {strides = array<i32>} : memref<32x128x128xf32, #tpu.memory_space<vmem>>, vector<1x128x128xf32>,
    %slice3A_475 = vector.extract_strided_slice %get3A_2 {offsets = [20, 0], sizes = [1, 128], strides = [1, 1]} : vector<32x128xf32> to vector<1x128xf32>
    %slice3A_476 = vector.extract_strided_slice %transpose3A {offsets = [0, 20], sizes = [128, 1], strides = [1, 1]} : vector<128x32xf32> to vector<128x1xf32>
    %lt3A_477 = vector.broadcast %slice3A_476 : vector<128x1xf32> to vector<128x128xf32>
    %lt3A_478 = vector.broadcast %slice3A_475 : vector<1x128xf32> to vector<128x128xf32>
    %lt3A_479 = arith.cmpf olt, %lt3A_477, %lt3A_478 : vector<128x128xf32>
    %eq3A_480 = vector.broadcast %slice3A_476 : vector<128x1xf32> to vector<128x128xf32>
    %eq3A_481 = vector.broadcast %slice3A_475 : vector<1x128xf32> to vector<128x128xf32>
    %eq3A_482 = arith.cmpf oeq, %eq3A_480, %eq3A_481 : vector<128x128xf32>
    %and3A_483 = arith.andi %eq3A_482, %lt3A : vector<128x128xi1>
    %or3A_484 = arith.ori %lt3A_479, %and3A_483 : vector<128x128xi1>
    %convert_element_type3A_485 = arith.extui %or3A_484 : vector<128x128xi1> to vector<128x128xi32>
    %reduce_sum3A_486 = arith.constant dense<0> : vector<128xi32>
    %reduce_sum3A_487 = vector.multi_reduction <add>, %convert_element_type3A_485, %reduce_sum3A_486 [0] : vector<128x128xi32> to vector<128xi32>
    %broadcast_in_dim3A_488 = vector.shape_cast %reduce_sum3A_487 : vector<128xi32> to vector<1x128xi32>
    %eq3A_489 = vector.broadcast %broadcast_in_dim3A_488 : vector<1x128xi32> to vector<128x128xi32>
    %eq3A_490 = arith.cmpi eq, %iota3A, %eq3A_489 : vector<128x128xi32>
    %convert_element_type3A_491 = arith.extui %eq3A_490 : vector<128x128xi1> to vector<128x128xi32>
    %convert_element_type3A_492 = arith.sitofp %convert_element_type3A_491 : vector<128x128xi32> to vector<128x128xf32>
    %swap3A_493 = arith.constant 20 : index
    %swap3A_494 = arith.constant 0 : index
    %swap3A_495 = arith.constant 0 : index
    %swap3A_496 = vector.load %arg7[%swap3A_493, %swap3A_494, %swap3A_495] : memref<32x128x128xf32, #tpu.memory_space<vmem>>, vector<1x128x128xf32>
    %swap3A_497 = vector.shape_cast %swap3A_496 : vector<1x128x128xf32> to vector<128x128xf32>
    %swap3A_498 = vector.shape_cast %convert_element_type3A_492 : vector<128x128xf32> to vector<1x128x128xf32>
    tpu.vector_store %arg7[%swap3A_493, %swap3A_494, %swap3A_495], %swap3A_498 {strides = array<i32>} : memref<32x128x128xf32, #tpu.memory_space<vmem>>, vector<1x128x128xf32>,
    %slice3A_499 = vector.extract_strided_slice %get3A_2 {offsets = [21, 0], sizes = [1, 128], strides = [1, 1]} : vector<32x128xf32> to vector<1x128xf32>
    %slice3A_500 = vector.extract_strided_slice %transpose3A {offsets = [0, 21], sizes = [128, 1], strides = [1, 1]} : vector<128x32xf32> to vector<128x1xf32>
    %lt3A_501 = vector.broadcast %slice3A_500 : vector<128x1xf32> to vector<128x128xf32>
    %lt3A_502 = vector.broadcast %slice3A_499 : vector<1x128xf32> to vector<128x128xf32>
    %lt3A_503 = arith.cmpf olt, %lt3A_501, %lt3A_502 : vector<128x128xf32>
    %eq3A_504 = vector.broadcast %slice3A_500 : vector<128x1xf32> to vector<128x128xf32>
    %eq3A_505 = vector.broadcast %slice3A_499 : vector<1x128xf32> to vector<128x128xf32>
    %eq3A_506 = arith.cmpf oeq, %eq3A_504, %eq3A_505 : vector<128x128xf32>
    %and3A_507 = arith.andi %eq3A_506, %lt3A : vector<128x128xi1>
    %or3A_508 = arith.ori %lt3A_503, %and3A_507 : vector<128x128xi1>
    %convert_element_type3A_509 = arith.extui %or3A_508 : vector<128x128xi1> to vector<128x128xi32>
    %reduce_sum3A_510 = arith.constant dense<0> : vector<128xi32>
    %reduce_sum3A_511 = vector.multi_reduction <add>, %convert_element_type3A_509, %reduce_sum3A_510 [0] : vector<128x128xi32> to vector<128xi32>
    %broadcast_in_dim3A_512 = vector.shape_cast %reduce_sum3A_511 : vector<128xi32> to vector<1x128xi32>
    %eq3A_513 = vector.broadcast %broadcast_in_dim3A_512 : vector<1x128xi32> to vector<128x128xi32>
    %eq3A_514 = arith.cmpi eq, %iota3A, %eq3A_513 : vector<128x128xi32>
    %convert_element_type3A_515 = arith.extui %eq3A_514 : vector<128x128xi1> to vector<128x128xi32>
    %convert_element_type3A_516 = arith.sitofp %convert_element_type3A_515 : vector<128x128xi32> to vector<128x128xf32>
    %swap3A_517 = arith.constant 21 : index
    %swap3A_518 = arith.constant 0 : index
    %swap3A_519 = arith.constant 0 : index
    %swap3A_520 = vector.load %arg7[%swap3A_517, %swap3A_518, %swap3A_519] : memref<32x128x128xf32, #tpu.memory_space<vmem>>, vector<1x128x128xf32>
    %swap3A_521 = vector.shape_cast %swap3A_520 : vector<1x128x128xf32> to vector<128x128xf32>
    %swap3A_522 = vector.shape_cast %convert_element_type3A_516 : vector<128x128xf32> to vector<1x128x128xf32>
    tpu.vector_store %arg7[%swap3A_517, %swap3A_518, %swap3A_519], %swap3A_522 {strides = array<i32>} : memref<32x128x128xf32, #tpu.memory_space<vmem>>, vector<1x128x128xf32>,
    %slice3A_523 = vector.extract_strided_slice %get3A_2 {offsets = [22, 0], sizes = [1, 128], strides = [1, 1]} : vector<32x128xf32> to vector<1x128xf32>
    %slice3A_524 = vector.extract_strided_slice %transpose3A {offsets = [0, 22], sizes = [128, 1], strides = [1, 1]} : vector<128x32xf32> to vector<128x1xf32>
    %lt3A_525 = vector.broadcast %slice3A_524 : vector<128x1xf32> to vector<128x128xf32>
    %lt3A_526 = vector.broadcast %slice3A_523 : vector<1x128xf32> to vector<128x128xf32>
    %lt3A_527 = arith.cmpf olt, %lt3A_525, %lt3A_526 : vector<128x128xf32>
    %eq3A_528 = vector.broadcast %slice3A_524 : vector<128x1xf32> to vector<128x128xf32>
    %eq3A_529 = vector.broadcast %slice3A_523 : vector<1x128xf32> to vector<128x128xf32>
    %eq3A_530 = arith.cmpf oeq, %eq3A_528, %eq3A_529 : vector<128x128xf32>
    %and3A_531 = arith.andi %eq3A_530, %lt3A : vector<128x128xi1>
    %or3A_532 = arith.ori %lt3A_527, %and3A_531 : vector<128x128xi1>
    %convert_element_type3A_533 = arith.extui %or3A_532 : vector<128x128xi1> to vector<128x128xi32>
    %reduce_sum3A_534 = arith.constant dense<0> : vector<128xi32>
    %reduce_sum3A_535 = vector.multi_reduction <add>, %convert_element_type3A_533, %reduce_sum3A_534 [0] : vector<128x128xi32> to vector<128xi32>
    %broadcast_in_dim3A_536 = vector.shape_cast %reduce_sum3A_535 : vector<128xi32> to vector<1x128xi32>
    %eq3A_537 = vector.broadcast %broadcast_in_dim3A_536 : vector<1x128xi32> to vector<128x128xi32>
    %eq3A_538 = arith.cmpi eq, %iota3A, %eq3A_537 : vector<128x128xi32>
    %convert_element_type3A_539 = arith.extui %eq3A_538 : vector<128x128xi1> to vector<128x128xi32>
    %convert_element_type3A_540 = arith.sitofp %convert_element_type3A_539 : vector<128x128xi32> to vector<128x128xf32>
    %swap3A_541 = arith.constant 22 : index
    %swap3A_542 = arith.constant 0 : index
    %swap3A_543 = arith.constant 0 : index
    %swap3A_544 = vector.load %arg7[%swap3A_541, %swap3A_542, %swap3A_543] : memref<32x128x128xf32, #tpu.memory_space<vmem>>, vector<1x128x128xf32>
    %swap3A_545 = vector.shape_cast %swap3A_544 : vector<1x128x128xf32> to vector<128x128xf32>
    %swap3A_546 = vector.shape_cast %convert_element_type3A_540 : vector<128x128xf32> to vector<1x128x128xf32>
    tpu.vector_store %arg7[%swap3A_541, %swap3A_542, %swap3A_543], %swap3A_546 {strides = array<i32>} : memref<32x128x128xf32, #tpu.memory_space<vmem>>, vector<1x128x128xf32>,
    %slice3A_547 = vector.extract_strided_slice %get3A_2 {offsets = [23, 0], sizes = [1, 128], strides = [1, 1]} : vector<32x128xf32> to vector<1x128xf32>
    %slice3A_548 = vector.extract_strided_slice %transpose3A {offsets = [0, 23], sizes = [128, 1], strides = [1, 1]} : vector<128x32xf32> to vector<128x1xf32>
    %lt3A_549 = vector.broadcast %slice3A_548 : vector<128x1xf32> to vector<128x128xf32>
    %lt3A_550 = vector.broadcast %slice3A_547 : vector<1x128xf32> to vector<128x128xf32>
    %lt3A_551 = arith.cmpf olt, %lt3A_549, %lt3A_550 : vector<128x128xf32>
    %eq3A_552 = vector.broadcast %slice3A_548 : vector<128x1xf32> to vector<128x128xf32>
    %eq3A_553 = vector.broadcast %slice3A_547 : vector<1x128xf32> to vector<128x128xf32>
    %eq3A_554 = arith.cmpf oeq, %eq3A_552, %eq3A_553 : vector<128x128xf32>
    %and3A_555 = arith.andi %eq3A_554, %lt3A : vector<128x128xi1>
    %or3A_556 = arith.ori %lt3A_551, %and3A_555 : vector<128x128xi1>
    %convert_element_type3A_557 = arith.extui %or3A_556 : vector<128x128xi1> to vector<128x128xi32>
    %reduce_sum3A_558 = arith.constant dense<0> : vector<128xi32>
    %reduce_sum3A_559 = vector.multi_reduction <add>, %convert_element_type3A_557, %reduce_sum3A_558 [0] : vector<128x128xi32> to vector<128xi32>
    %broadcast_in_dim3A_560 = vector.shape_cast %reduce_sum3A_559 : vector<128xi32> to vector<1x128xi32>
    %eq3A_561 = vector.broadcast %broadcast_in_dim3A_560 : vector<1x128xi32> to vector<128x128xi32>
    %eq3A_562 = arith.cmpi eq, %iota3A, %eq3A_561 : vector<128x128xi32>
    %convert_element_type3A_563 = arith.extui %eq3A_562 : vector<128x128xi1> to vector<128x128xi32>
    %convert_element_type3A_564 = arith.sitofp %convert_element_type3A_563 : vector<128x128xi32> to vector<128x128xf32>
    %swap3A_565 = arith.constant 23 : index
    %swap3A_566 = arith.constant 0 : index
    %swap3A_567 = arith.constant 0 : index
    %swap3A_568 = vector.load %arg7[%swap3A_565, %swap3A_566, %swap3A_567] : memref<32x128x128xf32, #tpu.memory_space<vmem>>, vector<1x128x128xf32>
    %swap3A_569 = vector.shape_cast %swap3A_568 : vector<1x128x128xf32> to vector<128x128xf32>
    %swap3A_570 = vector.shape_cast %convert_element_type3A_564 : vector<128x128xf32> to vector<1x128x128xf32>
    tpu.vector_store %arg7[%swap3A_565, %swap3A_566, %swap3A_567], %swap3A_570 {strides = array<i32>} : memref<32x128x128xf32, #tpu.memory_space<vmem>>, vector<1x128x128xf32>,
    %slice3A_571 = vector.extract_strided_slice %get3A_2 {offsets = [24, 0], sizes = [1, 128], strides = [1, 1]} : vector<32x128xf32> to vector<1x128xf32>
    %slice3A_572 = vector.extract_strided_slice %transpose3A {offsets = [0, 24], sizes = [128, 1], strides = [1, 1]} : vector<128x32xf32> to vector<128x1xf32>
    %lt3A_573 = vector.broadcast %slice3A_572 : vector<128x1xf32> to vector<128x128xf32>
    %lt3A_574 = vector.broadcast %slice3A_571 : vector<1x128xf32> to vector<128x128xf32>
    %lt3A_575 = arith.cmpf olt, %lt3A_573, %lt3A_574 : vector<128x128xf32>
    %eq3A_576 = vector.broadcast %slice3A_572 : vector<128x1xf32> to vector<128x128xf32>
    %eq3A_577 = vector.broadcast %slice3A_571 : vector<1x128xf32> to vector<128x128xf32>
    %eq3A_578 = arith.cmpf oeq, %eq3A_576, %eq3A_577 : vector<128x128xf32>
    %and3A_579 = arith.andi %eq3A_578, %lt3A : vector<128x128xi1>
    %or3A_580 = arith.ori %lt3A_575, %and3A_579 : vector<128x128xi1>
    %convert_element_type3A_581 = arith.extui %or3A_580 : vector<128x128xi1> to vector<128x128xi32>
    %reduce_sum3A_582 = arith.constant dense<0> : vector<128xi32>
    %reduce_sum3A_583 = vector.multi_reduction <add>, %convert_element_type3A_581, %reduce_sum3A_582 [0] : vector<128x128xi32> to vector<128xi32>
    %broadcast_in_dim3A_584 = vector.shape_cast %reduce_sum3A_583 : vector<128xi32> to vector<1x128xi32>
    %eq3A_585 = vector.broadcast %broadcast_in_dim3A_584 : vector<1x128xi32> to vector<128x128xi32>
    %eq3A_586 = arith.cmpi eq, %iota3A, %eq3A_585 : vector<128x128xi32>
    %convert_element_type3A_587 = arith.extui %eq3A_586 : vector<128x128xi1> to vector<128x128xi32>
    %convert_element_type3A_588 = arith.sitofp %convert_element_type3A_587 : vector<128x128xi32> to vector<128x128xf32>
    %swap3A_589 = arith.constant 24 : index
    %swap3A_590 = arith.constant 0 : index
    %swap3A_591 = arith.constant 0 : index
    %swap3A_592 = vector.load %arg7[%swap3A_589, %swap3A_590, %swap3A_591] : memref<32x128x128xf32, #tpu.memory_space<vmem>>, vector<1x128x128xf32>
    %swap3A_593 = vector.shape_cast %swap3A_592 : vector<1x128x128xf32> to vector<128x128xf32>
    %swap3A_594 = vector.shape_cast %convert_element_type3A_588 : vector<128x128xf32> to vector<1x128x128xf32>
    tpu.vector_store %arg7[%swap3A_589, %swap3A_590, %swap3A_591], %swap3A_594 {strides = array<i32>} : memref<32x128x128xf32, #tpu.memory_space<vmem>>, vector<1x128x128xf32>,
    %slice3A_595 = vector.extract_strided_slice %get3A_2 {offsets = [25, 0], sizes = [1, 128], strides = [1, 1]} : vector<32x128xf32> to vector<1x128xf32>
    %slice3A_596 = vector.extract_strided_slice %transpose3A {offsets = [0, 25], sizes = [128, 1], strides = [1, 1]} : vector<128x32xf32> to vector<128x1xf32>
    %lt3A_597 = vector.broadcast %slice3A_596 : vector<128x1xf32> to vector<128x128xf32>
    %lt3A_598 = vector.broadcast %slice3A_595 : vector<1x128xf32> to vector<128x128xf32>
    %lt3A_599 = arith.cmpf olt, %lt3A_597, %lt3A_598 : vector<128x128xf32>
    %eq3A_600 = vector.broadcast %slice3A_596 : vector<128x1xf32> to vector<128x128xf32>
    %eq3A_601 = vector.broadcast %slice3A_595 : vector<1x128xf32> to vector<128x128xf32>
    %eq3A_602 = arith.cmpf oeq, %eq3A_600, %eq3A_601 : vector<128x128xf32>
    %and3A_603 = arith.andi %eq3A_602, %lt3A : vector<128x128xi1>
    %or3A_604 = arith.ori %lt3A_599, %and3A_603 : vector<128x128xi1>
    %convert_element_type3A_605 = arith.extui %or3A_604 : vector<128x128xi1> to vector<128x128xi32>
    %reduce_sum3A_606 = arith.constant dense<0> : vector<128xi32>
    %reduce_sum3A_607 = vector.multi_reduction <add>, %convert_element_type3A_605, %reduce_sum3A_606 [0] : vector<128x128xi32> to vector<128xi32>
    %broadcast_in_dim3A_608 = vector.shape_cast %reduce_sum3A_607 : vector<128xi32> to vector<1x128xi32>
    %eq3A_609 = vector.broadcast %broadcast_in_dim3A_608 : vector<1x128xi32> to vector<128x128xi32>
    %eq3A_610 = arith.cmpi eq, %iota3A, %eq3A_609 : vector<128x128xi32>
    %convert_element_type3A_611 = arith.extui %eq3A_610 : vector<128x128xi1> to vector<128x128xi32>
    %convert_element_type3A_612 = arith.sitofp %convert_element_type3A_611 : vector<128x128xi32> to vector<128x128xf32>
    %swap3A_613 = arith.constant 25 : index
    %swap3A_614 = arith.constant 0 : index
    %swap3A_615 = arith.constant 0 : index
    %swap3A_616 = vector.load %arg7[%swap3A_613, %swap3A_614, %swap3A_615] : memref<32x128x128xf32, #tpu.memory_space<vmem>>, vector<1x128x128xf32>
    %swap3A_617 = vector.shape_cast %swap3A_616 : vector<1x128x128xf32> to vector<128x128xf32>
    %swap3A_618 = vector.shape_cast %convert_element_type3A_612 : vector<128x128xf32> to vector<1x128x128xf32>
    tpu.vector_store %arg7[%swap3A_613, %swap3A_614, %swap3A_615], %swap3A_618 {strides = array<i32>} : memref<32x128x128xf32, #tpu.memory_space<vmem>>, vector<1x128x128xf32>,
    %slice3A_619 = vector.extract_strided_slice %get3A_2 {offsets = [26, 0], sizes = [1, 128], strides = [1, 1]} : vector<32x128xf32> to vector<1x128xf32>
    %slice3A_620 = vector.extract_strided_slice %transpose3A {offsets = [0, 26], sizes = [128, 1], strides = [1, 1]} : vector<128x32xf32> to vector<128x1xf32>
    %lt3A_621 = vector.broadcast %slice3A_620 : vector<128x1xf32> to vector<128x128xf32>
    %lt3A_622 = vector.broadcast %slice3A_619 : vector<1x128xf32> to vector<128x128xf32>
    %lt3A_623 = arith.cmpf olt, %lt3A_621, %lt3A_622 : vector<128x128xf32>
    %eq3A_624 = vector.broadcast %slice3A_620 : vector<128x1xf32> to vector<128x128xf32>
    %eq3A_625 = vector.broadcast %slice3A_619 : vector<1x128xf32> to vector<128x128xf32>
    %eq3A_626 = arith.cmpf oeq, %eq3A_624, %eq3A_625 : vector<128x128xf32>
    %and3A_627 = arith.andi %eq3A_626, %lt3A : vector<128x128xi1>
    %or3A_628 = arith.ori %lt3A_623, %and3A_627 : vector<128x128xi1>
    %convert_element_type3A_629 = arith.extui %or3A_628 : vector<128x128xi1> to vector<128x128xi32>
    %reduce_sum3A_630 = arith.constant dense<0> : vector<128xi32>
    %reduce_sum3A_631 = vector.multi_reduction <add>, %convert_element_type3A_629, %reduce_sum3A_630 [0] : vector<128x128xi32> to vector<128xi32>
    %broadcast_in_dim3A_632 = vector.shape_cast %reduce_sum3A_631 : vector<128xi32> to vector<1x128xi32>
    %eq3A_633 = vector.broadcast %broadcast_in_dim3A_632 : vector<1x128xi32> to vector<128x128xi32>
    %eq3A_634 = arith.cmpi eq, %iota3A, %eq3A_633 : vector<128x128xi32>
    %convert_element_type3A_635 = arith.extui %eq3A_634 : vector<128x128xi1> to vector<128x128xi32>
    %convert_element_type3A_636 = arith.sitofp %convert_element_type3A_635 : vector<128x128xi32> to vector<128x128xf32>
    %swap3A_637 = arith.constant 26 : index
    %swap3A_638 = arith.constant 0 : index
    %swap3A_639 = arith.constant 0 : index
    %swap3A_640 = vector.load %arg7[%swap3A_637, %swap3A_638, %swap3A_639] : memref<32x128x128xf32, #tpu.memory_space<vmem>>, vector<1x128x128xf32>
    %swap3A_641 = vector.shape_cast %swap3A_640 : vector<1x128x128xf32> to vector<128x128xf32>
    %swap3A_642 = vector.shape_cast %convert_element_type3A_636 : vector<128x128xf32> to vector<1x128x128xf32>
    tpu.vector_store %arg7[%swap3A_637, %swap3A_638, %swap3A_639], %swap3A_642 {strides = array<i32>} : memref<32x128x128xf32, #tpu.memory_space<vmem>>, vector<1x128x128xf32>,
    %slice3A_643 = vector.extract_strided_slice %get3A_2 {offsets = [27, 0], sizes = [1, 128], strides = [1, 1]} : vector<32x128xf32> to vector<1x128xf32>
    %slice3A_644 = vector.extract_strided_slice %transpose3A {offsets = [0, 27], sizes = [128, 1], strides = [1, 1]} : vector<128x32xf32> to vector<128x1xf32>
    %lt3A_645 = vector.broadcast %slice3A_644 : vector<128x1xf32> to vector<128x128xf32>
    %lt3A_646 = vector.broadcast %slice3A_643 : vector<1x128xf32> to vector<128x128xf32>
    %lt3A_647 = arith.cmpf olt, %lt3A_645, %lt3A_646 : vector<128x128xf32>
    %eq3A_648 = vector.broadcast %slice3A_644 : vector<128x1xf32> to vector<128x128xf32>
    %eq3A_649 = vector.broadcast %slice3A_643 : vector<1x128xf32> to vector<128x128xf32>
    %eq3A_650 = arith.cmpf oeq, %eq3A_648, %eq3A_649 : vector<128x128xf32>
    %and3A_651 = arith.andi %eq3A_650, %lt3A : vector<128x128xi1>
    %or3A_652 = arith.ori %lt3A_647, %and3A_651 : vector<128x128xi1>
    %convert_element_type3A_653 = arith.extui %or3A_652 : vector<128x128xi1> to vector<128x128xi32>
    %reduce_sum3A_654 = arith.constant dense<0> : vector<128xi32>
    %reduce_sum3A_655 = vector.multi_reduction <add>, %convert_element_type3A_653, %reduce_sum3A_654 [0] : vector<128x128xi32> to vector<128xi32>
    %broadcast_in_dim3A_656 = vector.shape_cast %reduce_sum3A_655 : vector<128xi32> to vector<1x128xi32>
    %eq3A_657 = vector.broadcast %broadcast_in_dim3A_656 : vector<1x128xi32> to vector<128x128xi32>
    %eq3A_658 = arith.cmpi eq, %iota3A, %eq3A_657 : vector<128x128xi32>
    %convert_element_type3A_659 = arith.extui %eq3A_658 : vector<128x128xi1> to vector<128x128xi32>
    %convert_element_type3A_660 = arith.sitofp %convert_element_type3A_659 : vector<128x128xi32> to vector<128x128xf32>
    %swap3A_661 = arith.constant 27 : index
    %swap3A_662 = arith.constant 0 : index
    %swap3A_663 = arith.constant 0 : index
    %swap3A_664 = vector.load %arg7[%swap3A_661, %swap3A_662, %swap3A_663] : memref<32x128x128xf32, #tpu.memory_space<vmem>>, vector<1x128x128xf32>
    %swap3A_665 = vector.shape_cast %swap3A_664 : vector<1x128x128xf32> to vector<128x128xf32>
    %swap3A_666 = vector.shape_cast %convert_element_type3A_660 : vector<128x128xf32> to vector<1x128x128xf32>
    tpu.vector_store %arg7[%swap3A_661, %swap3A_662, %swap3A_663], %swap3A_666 {strides = array<i32>} : memref<32x128x128xf32, #tpu.memory_space<vmem>>, vector<1x128x128xf32>,
    %slice3A_667 = vector.extract_strided_slice %get3A_2 {offsets = [28, 0], sizes = [1, 128], strides = [1, 1]} : vector<32x128xf32> to vector<1x128xf32>
    %slice3A_668 = vector.extract_strided_slice %transpose3A {offsets = [0, 28], sizes = [128, 1], strides = [1, 1]} : vector<128x32xf32> to vector<128x1xf32>
    %lt3A_669 = vector.broadcast %slice3A_668 : vector<128x1xf32> to vector<128x128xf32>
    %lt3A_670 = vector.broadcast %slice3A_667 : vector<1x128xf32> to vector<128x128xf32>
    %lt3A_671 = arith.cmpf olt, %lt3A_669, %lt3A_670 : vector<128x128xf32>
    %eq3A_672 = vector.broadcast %slice3A_668 : vector<128x1xf32> to vector<128x128xf32>
    %eq3A_673 = vector.broadcast %slice3A_667 : vector<1x128xf32> to vector<128x128xf32>
    %eq3A_674 = arith.cmpf oeq, %eq3A_672, %eq3A_673 : vector<128x128xf32>
    %and3A_675 = arith.andi %eq3A_674, %lt3A : vector<128x128xi1>
    %or3A_676 = arith.ori %lt3A_671, %and3A_675 : vector<128x128xi1>
    %convert_element_type3A_677 = arith.extui %or3A_676 : vector<128x128xi1> to vector<128x128xi32>
    %reduce_sum3A_678 = arith.constant dense<0> : vector<128xi32>
    %reduce_sum3A_679 = vector.multi_reduction <add>, %convert_element_type3A_677, %reduce_sum3A_678 [0] : vector<128x128xi32> to vector<128xi32>
    %broadcast_in_dim3A_680 = vector.shape_cast %reduce_sum3A_679 : vector<128xi32> to vector<1x128xi32>
    %eq3A_681 = vector.broadcast %broadcast_in_dim3A_680 : vector<1x128xi32> to vector<128x128xi32>
    %eq3A_682 = arith.cmpi eq, %iota3A, %eq3A_681 : vector<128x128xi32>
    %convert_element_type3A_683 = arith.extui %eq3A_682 : vector<128x128xi1> to vector<128x128xi32>
    %convert_element_type3A_684 = arith.sitofp %convert_element_type3A_683 : vector<128x128xi32> to vector<128x128xf32>
    %swap3A_685 = arith.constant 28 : index
    %swap3A_686 = arith.constant 0 : index
    %swap3A_687 = arith.constant 0 : index
    %swap3A_688 = vector.load %arg7[%swap3A_685, %swap3A_686, %swap3A_687] : memref<32x128x128xf32, #tpu.memory_space<vmem>>, vector<1x128x128xf32>
    %swap3A_689 = vector.shape_cast %swap3A_688 : vector<1x128x128xf32> to vector<128x128xf32>
    %swap3A_690 = vector.shape_cast %convert_element_type3A_684 : vector<128x128xf32> to vector<1x128x128xf32>
    tpu.vector_store %arg7[%swap3A_685, %swap3A_686, %swap3A_687], %swap3A_690 {strides = array<i32>} : memref<32x128x128xf32, #tpu.memory_space<vmem>>, vector<1x128x128xf32>,
    %slice3A_691 = vector.extract_strided_slice %get3A_2 {offsets = [29, 0], sizes = [1, 128], strides = [1, 1]} : vector<32x128xf32> to vector<1x128xf32>
    %slice3A_692 = vector.extract_strided_slice %transpose3A {offsets = [0, 29], sizes = [128, 1], strides = [1, 1]} : vector<128x32xf32> to vector<128x1xf32>
    %lt3A_693 = vector.broadcast %slice3A_692 : vector<128x1xf32> to vector<128x128xf32>
    %lt3A_694 = vector.broadcast %slice3A_691 : vector<1x128xf32> to vector<128x128xf32>
    %lt3A_695 = arith.cmpf olt, %lt3A_693, %lt3A_694 : vector<128x128xf32>
    %eq3A_696 = vector.broadcast %slice3A_692 : vector<128x1xf32> to vector<128x128xf32>
    %eq3A_697 = vector.broadcast %slice3A_691 : vector<1x128xf32> to vector<128x128xf32>
    %eq3A_698 = arith.cmpf oeq, %eq3A_696, %eq3A_697 : vector<128x128xf32>
    %and3A_699 = arith.andi %eq3A_698, %lt3A : vector<128x128xi1>
    %or3A_700 = arith.ori %lt3A_695, %and3A_699 : vector<128x128xi1>
    %convert_element_type3A_701 = arith.extui %or3A_700 : vector<128x128xi1> to vector<128x128xi32>
    %reduce_sum3A_702 = arith.constant dense<0> : vector<128xi32>
    %reduce_sum3A_703 = vector.multi_reduction <add>, %convert_element_type3A_701, %reduce_sum3A_702 [0] : vector<128x128xi32> to vector<128xi32>
    %broadcast_in_dim3A_704 = vector.shape_cast %reduce_sum3A_703 : vector<128xi32> to vector<1x128xi32>
    %eq3A_705 = vector.broadcast %broadcast_in_dim3A_704 : vector<1x128xi32> to vector<128x128xi32>
    %eq3A_706 = arith.cmpi eq, %iota3A, %eq3A_705 : vector<128x128xi32>
    %convert_element_type3A_707 = arith.extui %eq3A_706 : vector<128x128xi1> to vector<128x128xi32>
    %convert_element_type3A_708 = arith.sitofp %convert_element_type3A_707 : vector<128x128xi32> to vector<128x128xf32>
    %swap3A_709 = arith.constant 29 : index
    %swap3A_710 = arith.constant 0 : index
    %swap3A_711 = arith.constant 0 : index
    %swap3A_712 = vector.load %arg7[%swap3A_709, %swap3A_710, %swap3A_711] : memref<32x128x128xf32, #tpu.memory_space<vmem>>, vector<1x128x128xf32>
    %swap3A_713 = vector.shape_cast %swap3A_712 : vector<1x128x128xf32> to vector<128x128xf32>
    %swap3A_714 = vector.shape_cast %convert_element_type3A_708 : vector<128x128xf32> to vector<1x128x128xf32>
    tpu.vector_store %arg7[%swap3A_709, %swap3A_710, %swap3A_711], %swap3A_714 {strides = array<i32>} : memref<32x128x128xf32, #tpu.memory_space<vmem>>, vector<1x128x128xf32>,
    %slice3A_715 = vector.extract_strided_slice %get3A_2 {offsets = [30, 0], sizes = [1, 128], strides = [1, 1]} : vector<32x128xf32> to vector<1x128xf32>
    %slice3A_716 = vector.extract_strided_slice %transpose3A {offsets = [0, 30], sizes = [128, 1], strides = [1, 1]} : vector<128x32xf32> to vector<128x1xf32>
    %lt3A_717 = vector.broadcast %slice3A_716 : vector<128x1xf32> to vector<128x128xf32>
    %lt3A_718 = vector.broadcast %slice3A_715 : vector<1x128xf32> to vector<128x128xf32>
    %lt3A_719 = arith.cmpf olt, %lt3A_717, %lt3A_718 : vector<128x128xf32>
    %eq3A_720 = vector.broadcast %slice3A_716 : vector<128x1xf32> to vector<128x128xf32>
    %eq3A_721 = vector.broadcast %slice3A_715 : vector<1x128xf32> to vector<128x128xf32>
    %eq3A_722 = arith.cmpf oeq, %eq3A_720, %eq3A_721 : vector<128x128xf32>
    %and3A_723 = arith.andi %eq3A_722, %lt3A : vector<128x128xi1>
    %or3A_724 = arith.ori %lt3A_719, %and3A_723 : vector<128x128xi1>
    %convert_element_type3A_725 = arith.extui %or3A_724 : vector<128x128xi1> to vector<128x128xi32>
    %reduce_sum3A_726 = arith.constant dense<0> : vector<128xi32>
    %reduce_sum3A_727 = vector.multi_reduction <add>, %convert_element_type3A_725, %reduce_sum3A_726 [0] : vector<128x128xi32> to vector<128xi32>
    %broadcast_in_dim3A_728 = vector.shape_cast %reduce_sum3A_727 : vector<128xi32> to vector<1x128xi32>
    %eq3A_729 = vector.broadcast %broadcast_in_dim3A_728 : vector<1x128xi32> to vector<128x128xi32>
    %eq3A_730 = arith.cmpi eq, %iota3A, %eq3A_729 : vector<128x128xi32>
    %convert_element_type3A_731 = arith.extui %eq3A_730 : vector<128x128xi1> to vector<128x128xi32>
    %convert_element_type3A_732 = arith.sitofp %convert_element_type3A_731 : vector<128x128xi32> to vector<128x128xf32>
    %swap3A_733 = arith.constant 30 : index
    %swap3A_734 = arith.constant 0 : index
    %swap3A_735 = arith.constant 0 : index
    %swap3A_736 = vector.load %arg7[%swap3A_733, %swap3A_734, %swap3A_735] : memref<32x128x128xf32, #tpu.memory_space<vmem>>, vector<1x128x128xf32>
    %swap3A_737 = vector.shape_cast %swap3A_736 : vector<1x128x128xf32> to vector<128x128xf32>
    %swap3A_738 = vector.shape_cast %convert_element_type3A_732 : vector<128x128xf32> to vector<1x128x128xf32>
    tpu.vector_store %arg7[%swap3A_733, %swap3A_734, %swap3A_735], %swap3A_738 {strides = array<i32>} : memref<32x128x128xf32, #tpu.memory_space<vmem>>, vector<1x128x128xf32>,
    %slice3A_739 = vector.extract_strided_slice %get3A_2 {offsets = [31, 0], sizes = [1, 128], strides = [1, 1]} : vector<32x128xf32> to vector<1x128xf32>
    %slice3A_740 = vector.extract_strided_slice %transpose3A {offsets = [0, 31], sizes = [128, 1], strides = [1, 1]} : vector<128x32xf32> to vector<128x1xf32>
    %lt3A_741 = vector.broadcast %slice3A_740 : vector<128x1xf32> to vector<128x128xf32>
    %lt3A_742 = vector.broadcast %slice3A_739 : vector<1x128xf32> to vector<128x128xf32>
    %lt3A_743 = arith.cmpf olt, %lt3A_741, %lt3A_742 : vector<128x128xf32>
    %eq3A_744 = vector.broadcast %slice3A_740 : vector<128x1xf32> to vector<128x128xf32>
    %eq3A_745 = vector.broadcast %slice3A_739 : vector<1x128xf32> to vector<128x128xf32>
    %eq3A_746 = arith.cmpf oeq, %eq3A_744, %eq3A_745 : vector<128x128xf32>
    %and3A_747 = arith.andi %eq3A_746, %lt3A : vector<128x128xi1>
    %or3A_748 = arith.ori %lt3A_743, %and3A_747 : vector<128x128xi1>
    %convert_element_type3A_749 = arith.extui %or3A_748 : vector<128x128xi1> to vector<128x128xi32>
    %reduce_sum3A_750 = arith.constant dense<0> : vector<128xi32>
    %reduce_sum3A_751 = vector.multi_reduction <add>, %convert_element_type3A_749, %reduce_sum3A_750 [0] : vector<128x128xi32> to vector<128xi32>
    %broadcast_in_dim3A_752 = vector.shape_cast %reduce_sum3A_751 : vector<128xi32> to vector<1x128xi32>
    %eq3A_753 = vector.broadcast %broadcast_in_dim3A_752 : vector<1x128xi32> to vector<128x128xi32>
    %eq3A_754 = arith.cmpi eq, %iota3A, %eq3A_753 : vector<128x128xi32>
    %convert_element_type3A_755 = arith.extui %eq3A_754 : vector<128x128xi1> to vector<128x128xi32>
    %convert_element_type3A_756 = arith.sitofp %convert_element_type3A_755 : vector<128x128xi32> to vector<128x128xf32>
    %swap3A_757 = arith.constant 31 : index
    %swap3A_758 = arith.constant 0 : index
    %swap3A_759 = arith.constant 0 : index
    %swap3A_760 = vector.load %arg7[%swap3A_757, %swap3A_758, %swap3A_759] : memref<32x128x128xf32, #tpu.memory_space<vmem>>, vector<1x128x128xf32>
    %swap3A_761 = vector.shape_cast %swap3A_760 : vector<1x128x128xf32> to vector<128x128xf32>
    %swap3A_762 = vector.shape_cast %convert_element_type3A_756 : vector<128x128xf32> to vector<1x128x128xf32>
    tpu.vector_store %arg7[%swap3A_757, %swap3A_758, %swap3A_759], %swap3A_762 {strides = array<i32>} : memref<32x128x128xf32, #tpu.memory_space<vmem>>, vector<1x128x128xf32>,
    %get3A_763 = arith.constant 0 : index
    %get3A_764 = arith.constant 0 : index
    %get3A_765 = vector.load %arg3[%get3A_763, %get3A_764] : memref<32x64xf32, #tpu.memory_space<vmem>>, vector<32x64xf32>
    %get3A_766 = arith.constant 0 : index
    %get3A_767 = arith.constant 0 : index
    %get3A_768 = vector.load %arg4[%get3A_766, %get3A_767] : memref<256x64xf32, #tpu.memory_space<vmem>>, vector<256x64xf32>
    %dot_general3A = arith.constant dense<0.000000e+00> : vector<32x256xf32>
    %dot_general3A_769 = tpu.matmul %get3A_765, %get3A_768, %dot_general3A {dimension_numbers = #tpu.dot_dimension_numbers<[1], [1], [0], [0], [0, 0, 1, 0], [], []>, precision = #tpu.contract_precision<fp32>, transpose_lhs_hint = false} : vector<32x64xf32>, vector<256x64xf32>, vector<32x256xf32> -> vector<32x256xf32>
    %get3A_770 = arith.constant 0 : index
    %get3A_771 = arith.constant 0 : index
    %get3A_772 = vector.load %arg5[%get3A_770, %get3A_771] : memref<1x256xf32, #tpu.memory_space<vmem>>, vector<1x256xf32>
    %add3A = vector.broadcast %get3A_772 : vector<1x256xf32> to vector<32x256xf32>
    %add3A_773 = arith.addf %dot_general3A_769, %add3A : vector<32x256xf32>
    %swap3A_774 = arith.constant 0 : index
    %swap3A_775 = arith.constant 0 : index
    %swap3A_776 = vector.load %arg8[%swap3A_774, %swap3A_775] : memref<32x256xf32, #tpu.memory_space<vmem>>, vector<32x256xf32>
    tpu.vector_store %arg8[%swap3A_774, %swap3A_775], %add3A_773 {strides = array<i32>} : memref<32x256xf32, #tpu.memory_space<vmem>>, vector<32x256xf32>,
    return
  }
  func.func @transform_1(%arg0: i32) -> (i32, i32) {
    %c0_i32 = arith.constant 0 : i32
    %c0_i32_0 = arith.constant 0 : i32
    return %arg0, %c0_i32 : i32, i32
  }
  func.func @transform_2(%arg0: i32) -> (i32, i32) {
    %c0_i32 = arith.constant 0 : i32
    %c0_i32_0 = arith.constant 0 : i32
    return %arg0, %c0_i32 : i32, i32
  }
  func.func @transform_3(%arg0: i32) -> (i32, i32) {
    %c0_i32 = arith.constant 0 : i32
    %c0_i32_0 = arith.constant 0 : i32
    %c0_i32_1 = arith.constant 0 : i32
    return %c0_i32, %c0_i32_0 : i32, i32
  }
  func.func @transform_4(%arg0: i32) -> (i32, i32) {
    %c0_i32 = arith.constant 0 : i32
    %c0_i32_0 = arith.constant 0 : i32
    %c0_i32_1 = arith.constant 0 : i32
    return %c0_i32, %c0_i32_0 : i32, i32
  }
  func.func @transform_6(%arg0: i32) -> (i32, i32, i32) {
    %c0_i32 = arith.constant 0 : i32
    %c0_i32_0 = arith.constant 0 : i32
    %c0_i32_1 = arith.constant 0 : i32
    return %arg0, %c0_i32, %c0_i32_0 : i32, i32, i32
  }
  func.func @transform_7(%arg0: i32) -> (i32, i32) {
    %c0_i32 = arith.constant 0 : i32
    %c0_i32_0 = arith.constant 0 : i32
    return %arg0, %c0_i32 : i32, i32
  }
}

</mosaic_0001>

<sc_bundles>
// kernel: kernel.4.cloned.1.call-start
scs
__scs_entry_jumppad:
0x0: {  	(pc) =	sbr.rel $0x88, $3  }
0x1: {  	(tag) =	ssettag $0x0;
	lr =	simm.s32 $0x1  }
0x2: {  	[smem:$0x3F9D] =	sst lr;
	_ =	strace $0xD0000000  }
0x3: {  	_ = 	snop  }
0x4: {  	_ = 	snop  }
0x5: {  	_ = 	snop  }
0x6: {  	_ = 	snop  }
0x7: {  	_ = 	snop  }
__scs_overlays_trampoline_lowered:
0x8: {  	[smem:$0x3FAC] =	sst s0  }
0x9: {  	[smem:$0x3FAD] =	sst s1  }
0xa: {  	[smem:$0x3FAE] =	sst s2  }
0xb: {  	[smem:$0x3FAF] =	sst s3  }
0xc: {  	[smem:$0x3FB0] =	sst s4  }
0xd: {  	[smem:$0x3FB1] =	sst s5  }
0xe: {  	[smem:$0x3FB2] =	sst s6  }
0xf: {  	[smem:$0x3FB3] =	sst s7  }
0x10: {  	[smem:$0x3FB4] =	sst s8  }
0x11: {  	[smem:$0x3FB5] =	sst s9;
	s0 =	simm.s32 @!p0 $0x0  }
0x12: {  	s1 =	sld [smem:$0x3F9B];
	s0 =	simm.s32 @p0 $0x1  }
0x13: {  	[smem:$0x3FB6] =	sst s0;
	s0 =	simm.s32 @!p1 $0x0  }
0x14: {  	s2 =	sld [smem:$0x3F9A];
	s0 =	simm.s32 @p1 $0x1  }
0x15: {  	[smem:$0x3FB7] =	sst s0;
	s0 =	simm.s32 @!p2 $0x0  }
0x16: {  	s3 =	sld [smem:$0x3FDB];
	s0 =	simm.s32 @p2 $0x1  }
0x17: {  	s4 =	simm.s32 $0x1BF5;
	[smem:$0x3FB9] =	sst s0  }
0x18: {  	s0 =	sld [smem:$0x3F9C];
	_ =	swait.ge [sflag:s4], $0x0  }
0x19: {  	s7 =	sld [smem:$0x3F9D]  }
0x1a: {  	s8 =	sadd.s32 $0xFFFFE003, lr  }
0x1b: {  	s9 =	sadd.s32 $0xFFFFFEF7, lr;
	s5 =	simm.s32 $0xFFFFFFFF;
	p2 =	slt.u32 s8, $0xFFFFF086  }
0x1c: {  	p1 =	slt.u32 s9, $0xF7A;
	s5 =	simm.s32 @!p2 $0x0  }
0x1d: {  	s5 =	simm.s32 @p1 $0x1;
	p0 =	seq.s32 s7, s2  }
0x1e: {  	s7 =	smul.u32 @!p0 $0xF7A, s2;
	p2 =	seq.s32 @!p0 s5, $0x0  }
0x1f: {  	s9 =	smul.u32 $0xF7A, s1;
	s8 =	simm.s32 @!p0 $0x1BF5;
	p2 =	por !p2, p0  }
0x20: {  	[sflag:s8] =	ssyncset.s32 @!p0 $0xFFFFF086;
	s6 =	sadd.s32 @!p0 s3, s7;
	s7 =	simm.s32 @!p0 $0x108  }
0x21: {  	s3 =	sadd.s32 s3, s9;
	s6 =	sadd.s32 @!p0 $0x88, s6;
	s7 =	simm.s32 @p2 $0x1082  }
0x22: {  	[simem:s7], [sflag:s8] =	dma.local @!p0 [hbm:s6], $0xF7A  }
0x23: {  	s9 =	sor.u32 $0xD0000000, s2;
	s6 =	simm.s32 $0x108;
	_ =	swait.ge @!p0 [sflag:s8], $0x0  }
0x24: {  	s3 =	sadd.s32 $0x88, s3;
	s6 =	simm.s32 @!p1 $0x1082;
	[sflag:s4] =	ssyncset.s32 $0xFFFFF086  }
0x25: {  	[simem:s6], [sflag:s4] =	dma.local [hbm:s3], $0xF7A  }
0x26: {  	[smem:$0x3F9D] =	sst s1;
	(tag) =	ssettag s2;
	_ =	strace s9  }
0x27: {  	s1 =	sld [smem:$0x3FAD]  }
0x28: {  	s2 =	sld [smem:$0x3FAE]  }
0x29: {  	s4 =	sld [smem:$0x3FB0]  }
0x2a: {  	p0 =	seq.s32 s5, $0x0;
	s5 =	sld [smem:$0x3FB1]  }
0x2b: {  	s6 =	sld [smem:$0x3FB2]  }
0x2c: {  	s7 =	sld [smem:$0x3FB3]  }
0x2d: {  	s3 =	simm.s32 $0x108;
	s8 =	sld [smem:$0x3FB4]  }
0x2e: {  	s3 =	simm.s32 @!p0 $0x1082;
	s9 =	sld [smem:$0x3FB5]  }
0x2f: {  	lr =	sadd.s32 s0, s3;
	s0 =	sld [smem:$0x3FAC]  }
0x30: {  	s3 =	sld [smem:$0x3FAF]  }
0x31: {  	[smem:$0x3FB8] =	sst s10  }
0x32: {  	s10 =	sld [smem:$0x3FB6];
	_ =	sdelay $0x3  }
0x33: {  	p0 =	seq.s32 s10, $0x1;
	s10 =	sld [smem:$0x3FB8];
	_ =	sdelay $0x3  }
0x34: {  	[smem:$0x3FB8] =	sst s10  }
0x35: {  	s10 =	sld [smem:$0x3FB7];
	_ =	sdelay $0x3  }
0x36: {  	p1 =	seq.s32 s10, $0x1;
	s10 =	sld [smem:$0x3FB8];
	_ =	sdelay $0x3  }
0x37: {  	[smem:$0x3FB8] =	sst s10  }
0x38: {  	s10 =	sld [smem:$0x3FB9]  }
0x39: {  	_ = 	snop;
	(pc) =	sbr.ind lr, $3  }
0x3a: {  	_ = 	snop  }
0x3b: {  	_ = 	snop  }
0x3c: {  	p2 =	seq.s32 s10, $0x1;
	s10 =	sld [smem:$0x3FB8]  }
0x3d: {  	_ =	shalt  }
0x3e: {  	_ =	shalt  }
0x3f: {  	_ =	shalt  }
0x40: {  	_ =	shalt  }
0x41: {  	_ =	shalt  }
0x42: {  	_ =	shalt  }
0x43: {  	_ =	shalt  }
0x44: {  	_ =	shalt  }
0x45: {  	_ =	shalt  }
0x46: {  	_ =	shalt  }
0x47: {  	_ =	shalt  }
0x48: {  	_ =	shalt  }
0x49: {  	_ =	shalt  }
0x4a: {  	_ =	shalt  }
0x4b: {  	_ =	shalt  }
0x4c: {  	_ =	shalt  }
0x4d: {  	_ =	shalt  }
0x4e: {  	_ =	shalt  }
0x4f: {  	_ =	shalt  }
0x50: {  	_ =	shalt  }
0x51: {  	_ =	shalt  }
0x52: {  	_ =	shalt  }
0x53: {  	_ =	shalt  }
0x54: {  	_ =	shalt  }
0x55: {  	_ =	shalt  }
0x56: {  	_ =	shalt  }
0x57: {  	_ =	shalt  }
0x58: {  	_ =	shalt  }
0x59: {  	_ =	shalt  }
0x5a: {  	_ =	shalt  }
0x5b: {  	_ =	shalt  }
0x5c: {  	_ =	shalt  }
0x5d: {  	_ =	shalt  }
0x5e: {  	_ =	shalt  }
0x5f: {  	_ =	shalt  }
0x60: {  	_ =	shalt  }
0x61: {  	_ =	shalt  }
0x62: {  	_ =	shalt  }
0x63: {  	_ =	shalt  }
0x64: {  	_ =	shalt  }
0x65: {  	_ =	shalt  }
0x66: {  	_ =	shalt  }
0x67: {  	_ =	shalt  }
0x68: {  	_ =	shalt  }
0x69: {  	_ =	shalt  }
0x6a: {  	_ =	shalt  }
0x6b: {  	_ =	shalt  }
0x6c: {  	_ =	shalt  }
0x6d: {  	_ =	shalt  }
0x6e: {  	_ =	shalt  }
0x6f: {  	_ =	shalt  }
0x70: {  	_ =	shalt  }
0x71: {  	_ =	shalt  }
0x72: {  	_ =	shalt  }
0x73: {  	_ =	shalt  }
0x74: {  	_ =	shalt  }
0x75: {  	_ =	shalt  }
0x76: {  	_ =	shalt  }
0x77: {  	_ =	shalt  }
0x78: {  	_ =	shalt  }
0x79: {  	_ =	shalt  }
0x7a: {  	_ =	shalt  }
0x7b: {  	_ =	shalt  }
0x7c: {  	_ =	shalt  }
0x7d: {  	_ =	shalt  }
0x7e: {  	_ =	shalt  }
0x7f: {  	_ =	shalt  }
0x80: {  	_ =	shalt  }
0x81: {  	_ =	shalt  }
0x82: {  	_ =	shalt  }
0x83: {  	_ =	shalt  }
0x84: {  	_ =	shalt  }
0x85: {  	_ =	shalt  }
0x86: {  	_ =	shalt  }
0x87: {  	_ =	shalt  }
.Lfunc_end0:
.L_simem_size_0:
called_computation_lowered:
.L_overlay_start_0:
0x88: {  	s2 =	sld [smem:$0x3FD9]  }
0x89: {  	s3 =	sld [smem:$0x3FFE];
	_ =	sdelay $0x1  }
0x8a: {  	s1 =	srdreg.scid  }
0x8b: {  	s0 =	sand.u32 $0x1, s1  }
0x8c: {  	s15 =	sshll.u32 s0, $0xA;
	s2 =	sadd.s32 s3, s2  }
0x8d: {  	s2 =	sadd.s32 s2, s15  }
0x8e: {  	[smem:$0x3FC4] =	sst s2  }
0x8f: {  	_ = 	snop  }
0x90: {  	s2 =	sld [smem:$0x3FD0];
	_ =	sdelay $0x2  }
0x91: {  	s16 =	simm.s32 $0xA;
	s4 =	simm.s32 $0x10  }
0x92: {  	[smem:s4], [sflag:s16] =	dma.local [hbm:s2], $0x1  }
0x93: {  	_ =	swait.eq [sflag:s16], $0x1  }
0x94: {  	[sflag:s16] =	ssyncset.done $0x0  }
0x95: {  	[sflag:s16] =	ssyncadd.s32 $0xFFFFFFFF  }
0x96: {  	s17 =	sld [smem:$0x10];
	(tm) =	ssettm $0x1  }
0x97: {  	s18 =	sld [smem:$0x3FFB];
	_ =	sdelay $0x3  }
0x98: {  	_ =	strace s18  }
0x99: {  	s3 =	sld [smem:$0x3FFC];
	_ =	sdelay $0x3  }
0x9a: {  	_ =	strace s3  }
0x9b: {  	s3 =	sld [smem:$0x3FFD];
	_ =	sdelay $0x3  }
0x9c: {  	_ =	strace s3  }
0x9d: {  	_ =	strace $0x8FFFFFFF  }
0x9e: {  	s19 =	sld [smem:$0x3FDB];
	_ =	sdelay $0x1  }
0x9f: {  	s20 =	simm.s32 $_scs_section_size  }
0xa0: {  	s5 =	simm.s32 $_size__tile_overlayer_lowered;
	s6 =	simm.s32 $_tile_overlayer_lowered  }
0xa1: {  	s23 =	simm.s32 $0x1BFF;
	s22 =	sshll.u32 s6, $0x1;
	s3 =	sadd.s32 s20, s19  }
0xa2: {  	s7 =	simm.s32 $0x0;
	s21 =	sshll.u32 s5, $0x1;
	s5 =	sadd.s32 s22, s3  }
0xa3: {  	[timem:s7], [sflag:s23] =	dma.local [hbm:s5], s21  }
0xa4: {  	_ =	swait.ge [sflag:s23], s21  }
0xa5: {  	s4 =	ssub.s32 $0x0, s21;
	[sflag:s23] =	ssyncset.done $0x0  }
0xa6: {  	[sflag:s23] =	ssyncadd.s32 s4;
	_ =	sdelay $0x1  }
0xa7: {  	s24 =	simm.s32 $0x1B8B  }
0xa8: {  	_ =	swait.ge [sflag:s24], $0x1  }
0xa9: {  	[sflag:s24] =	ssyncset.done $0x0  }
0xaa: {  	s25 =	simm.s32 $0x1B8E;
	[sflag:s24] =	ssyncadd.s32 $0xFFFFFFFF  }
0xab: {  	s26 =	simm.s32 $execute0_lowered;
	[smem:$0x3FD2] =	sst s25  }
0xac: {  	s4 =	sshll.u32 s26, $0x1;
	_ =	strace $0x80000046;
	[dreg:$0x1] =	wrdreg $0xFFFFFFFF  }
0xad: {  	s28 =	simm.s32 $_size_execute0_lowered;
	s3 =	sadd.s32 s3, s4;
	[dreg:$0x0] =	wrdreg $0x0  }
0xae: {  	s4 =	sshll.u32 s28, $0x1;
	[dreg:$0x2] =	wrdreg s3  }
0xaf: {  	[dreg:$0x3] =	wrdreg s4  }
0xb0: {  	[dreg:$0x4] =	wrdreg $0xC0  }
0xb1: {  	_ =	task [dreg:s7], $0x5FFFF  }
0xb2: {  	[dreg:$0x1] =	wrdreg $0xFFFFFFFF  }
0xb3: {  	[dreg:$0x0] =	wrdreg $0x60  }
0xb4: {  	[dreg:$0x2] =	wrdreg s17  }
0xb5: {  	[dreg:$0x3] =	wrdreg $0x9  }
0xb6: {  	_ =	task.clear_ibuf [dreg:s7], $0x4FFFF;
	_ =	strace $0x90000046  }
0xb7: {  	s29 =	simm.s32 $0x9;
	_ =	strace $0x80000048  }
0xb8: {  	_ =	swait.ge [sflag:s29], $0x1  }
0xb9: {  	[sflag:s29] =	ssyncadd.s32 $0xFFFFFFFF  }
0xba: {  	_ =	strace $0x90000048  }
0xbb: {  	_ =	sfence  }
0xbc: {  	s30 =	sld [smem:$0x0];
	_ =	sdelay $0x2  }
0xbd: {  	s31 =	sshll.u32 s1, $0xD;
	s1 =	sshrl.u32 s1, $0x2  }
0xbe: {  	s3 =	sand.u32 $0x4000, s31;
	s1 =	sadd.s32 s1, s30  }
0xbf: {  	s0 =	sor.u32 s3, s0;
	s1 =	sshll.u32 s1, $0x11  }
0xc0: {  	s0 =	sor.u32 s1, s0  }
0xc1: {  	s0 =	sadd.s32 $0x8F2B, s0  }
0xc2: {  	[sflag:s0] =	ssyncadd.remote.s32 $0x1  }
0xc3: {  	_ =	sfence.sel $0xFFFF  }
0xc4: {  	[dreg:$0x0] =	wrdreg $0xFFFFFFFF;
	(pc) =	sbr.abs _section_cstart, $3  }
0xc5: {  	[dreg:$0x1] =	wrdreg $0xFFFFFFFF  }
0xc6: {  	_ =	task.clear_ibuf [dreg:s7], $0x2FFFF;
	_ =	strace $0x9FFFFFFF  }
0xc7: {  	(tm) =	ssettm $0x7FFFFFFF  }
tec
execute0_lowered:
.L_overlay_start_1:
0x0: {  	(tag) =	ssettag $0x1  }
0x1: {  	s3 =	rddreg [dreg:$0x0]  }
0x2: {  	s0 =	rddreg [dreg:$0x1];
	s4 =	srdreg.scid  }
0x3: {  	s2 =	simm.s32 $0x0;
	s1 =	stileid.u32;
	s4 =	sand.u32 $0x1, s4  }
0x4: {  	s6 =	sshll.u32 s1, $0x12;
	s5 =	ssub.s32 $0x2, s4;
	s4 =	sshll.u32 s4, $0x11  }
0x5: {  	s20 =	simm.s32 $0x1;
	s21 =	simm.s32 $0x0;
	s4 =	sor.u32 s4, s6  }
0x6: {  	[smem:$0x7FF] =	sst s2;
	s7 =	sshrl.u32 s5, $0x1;
	s3 =	sadd.s32 s3, s4  }
0x7: {  	_ =	strace $0x80000047;
	s19 =	ssub.s32 s5, s7;
	s4 =	sadd.s32 $0x2000, s3  }
0x8: {  	s5 =	sadd.s32 $0x4000, s3;
	s6 =	sadd.s32 $0x6000, s3;
	s7 =	sadd.s32 $0x8000, s3  }
0x9: {  	s8 =	sadd.s32 $0xA000, s3;
	s9 =	sadd.s32 $0xC000, s3;
	s10 =	sadd.s32 $0xE000, s3  }
0xa: {  	s11 =	sadd.s32 $0x10000, s3;
	s12 =	sadd.s32 $0x12000, s3;
	s13 =	sadd.s32 $0x14000, s3  }
0xb: {  	s14 =	sadd.s32 $0x16000, s3;
	s15 =	sadd.s32 $0x18000, s3;
	s16 =	sadd.s32 $0x1A000, s3  }
0xc: {  	v0 =	vimm.f32 $0.0e+00;
	s17 =	sadd.s32 $0x1C000, s3;
	s18 =	sadd.s32 $0x1E000, s3;
	s19 =	smax.u32 s19, $0x1  }
.LBB2_1:
0xd: {  	s22 =	simm.s32 $0x0;
	s23 =	simm.s32 $0x200  }
.LBB2_2:
0xe: {  	p0 =	sne.s32 s23, $0x3FE00;
	[tilespmem:s22+$0x70] =	vst v0  }
0xf: {  	[tilespmem:s22+$0x0] =	vst v0  }
0x10: {  	[tilespmem:s22+$0x10] =	vst v0  }
.Ltmp0:
0x11: {  	[tilespmem:s22+$0x20] =	vst v0;
	(pc) =	sbr.rel @p0 .LBB2_2-.Ltmp0, $4  }
0x12: {  	[tilespmem:s22+$0x30] =	vst v0  }
0x13: {  	[tilespmem:s22+$0x40] =	vst v0  }
0x14: {  	[tilespmem:s22+$0x50] =	vst v0  }
0x15: {  	[tilespmem:s22+$0x60] =	vst v0;
	s22 =	sshra.s32 s23, $0x2;
	s23 =	sadd.s32 $0x200, s23  }
0x16: {  	[tilespmem:s22+$0x70] =	vst v0  }
0x17: {  	[tilespmem:s22+$0x0] =	vst v0  }
0x18: {  	[tilespmem:s22+$0x10] =	vst v0  }
0x19: {  	[tilespmem:s22+$0x20] =	vst v0  }
0x1a: {  	[tilespmem:s22+$0x30] =	vst v0  }
0x1b: {  	[tilespmem:s22+$0x40] =	vst v0  }
0x1c: {  	[tilespmem:s22+$0x50] =	vst v0  }
0x1d: {  	[tilespmem:s22+$0x60] =	vst v0  }
0x1e: {  	[hbm4b:s3+s2] =	stream.linear.scatter [tilespmem:s2], [sflag:$0x1], $0x10000, $0x38;
	[tilespmem:$0x10000] =	vst v63  }
0x1f: {  	_ = 	snop  }
0x20: {  	[hbm4b:s4+s2] =	stream.linear.scatter [tilespmem:s2], [sflag:$0x1], $0x10000, $0x38;
	[tilespmem:$0x10000] =	vst v63  }
0x21: {  	_ = 	snop  }
0x22: {  	[hbm4b:s5+s2] =	stream.linear.scatter [tilespmem:s2], [sflag:$0x1], $0x10000, $0x38;
	[tilespmem:$0x10000] =	vst v63  }
0x23: {  	_ = 	snop  }
0x24: {  	[hbm4b:s6+s2] =	stream.linear.scatter [tilespmem:s2], [sflag:$0x1], $0x10000, $0x38;
	[tilespmem:$0x10000] =	vst v63  }
0x25: {  	_ = 	snop  }
0x26: {  	[hbm4b:s7+s2] =	stream.linear.scatter [tilespmem:s2], [sflag:$0x1], $0x10000, $0x38;
	[tilespmem:$0x10000] =	vst v63  }
0x27: {  	_ = 	snop  }
0x28: {  	[hbm4b:s8+s2] =	stream.linear.scatter [tilespmem:s2], [sflag:$0x1], $0x10000, $0x38;
	[tilespmem:$0x10000] =	vst v63  }
0x29: {  	_ = 	snop  }
0x2a: {  	[hbm4b:s9+s2] =	stream.linear.scatter [tilespmem:s2], [sflag:$0x1], $0x10000, $0x38;
	[tilespmem:$0x10000] =	vst v63  }
0x2b: {  	_ = 	snop  }
0x2c: {  	[hbm4b:s10+s2] =	stream.linear.scatter [tilespmem:s2], [sflag:$0x1], $0x10000, $0x38;
	[tilespmem:$0x10000] =	vst v63  }
0x2d: {  	_ = 	snop  }
0x2e: {  	[hbm4b:s11+s2] =	stream.linear.scatter [tilespmem:s2], [sflag:$0x1], $0x10000, $0x38;
	[tilespmem:$0x10000] =	vst v63  }
0x2f: {  	_ = 	snop  }
0x30: {  	[hbm4b:s12+s2] =	stream.linear.scatter [tilespmem:s2], [sflag:$0x1], $0x10000, $0x38;
	[tilespmem:$0x10000] =	vst v63  }
0x31: {  	_ = 	snop  }
0x32: {  	[hbm4b:s13+s2] =	stream.linear.scatter [tilespmem:s2], [sflag:$0x1], $0x10000, $0x38;
	[tilespmem:$0x10000] =	vst v63  }
0x33: {  	_ = 	snop  }
0x34: {  	[hbm4b:s14+s2] =	stream.linear.scatter [tilespmem:s2], [sflag:$0x1], $0x10000, $0x38;
	[tilespmem:$0x10000] =	vst v63  }
0x35: {  	_ = 	snop  }
0x36: {  	[hbm4b:s15+s2] =	stream.linear.scatter [tilespmem:s2], [sflag:$0x1], $0x10000, $0x38;
	[tilespmem:$0x10000] =	vst v63  }
0x37: {  	_ = 	snop  }
0x38: {  	[hbm4b:s16+s2] =	stream.linear.scatter [tilespmem:s2], [sflag:$0x1], $0x10000, $0x38;
	[tilespmem:$0x10000] =	vst v63  }
0x39: {  	_ = 	snop  }
0x3a: {  	[hbm4b:s17+s2] =	stream.linear.scatter [tilespmem:s2], [sflag:$0x1], $0x10000, $0x38;
	[tilespmem:$0x10000] =	vst v63  }
0x3b: {  	_ = 	snop  }
0x3c: {  	[hbm4b:s18+s2] =	stream.linear.scatter [tilespmem:s2], [sflag:$0x1], $0x10000, $0x38;
	[tilespmem:$0x10000] =	vst v63  }
0x3d: {  	_ =	swait.ge [sflag:s20], $0x10000  }
0x3e: {  	[sflag:s20] =	ssyncset.done $0x0  }
0x3f: {  	[sflag:s20] =	ssyncadd.s32 $0xFFFF0000  }
0x40: {  	_ =	swait.ge [sflag:s20], $0x10000  }
0x41: {  	[sflag:s20] =	ssyncset.done $0x0  }
0x42: {  	[sflag:s20] =	ssyncadd.s32 $0xFFFF0000  }
0x43: {  	_ =	swait.ge [sflag:s20], $0x10000  }
0x44: {  	[sflag:s20] =	ssyncset.done $0x0  }
0x45: {  	[sflag:s20] =	ssyncadd.s32 $0xFFFF0000  }
0x46: {  	_ =	swait.ge [sflag:s20], $0x10000  }
0x47: {  	[sflag:s20] =	ssyncset.done $0x0  }
0x48: {  	[sflag:s20] =	ssyncadd.s32 $0xFFFF0000  }
0x49: {  	_ =	swait.ge [sflag:s20], $0x10000  }
0x4a: {  	[sflag:s20] =	ssyncset.done $0x0  }
0x4b: {  	[sflag:s20] =	ssyncadd.s32 $0xFFFF0000  }
0x4c: {  	_ =	swait.ge [sflag:s20], $0x10000  }
0x4d: {  	[sflag:s20] =	ssyncset.done $0x0  }
0x4e: {  	[sflag:s20] =	ssyncadd.s32 $0xFFFF0000  }
0x4f: {  	_ =	swait.ge [sflag:s20], $0x10000  }
0x50: {  	[sflag:s20] =	ssyncset.done $0x0  }
0x51: {  	[sflag:s20] =	ssyncadd.s32 $0xFFFF0000  }
0x52: {  	_ =	swait.ge [sflag:s20], $0x10000  }
0x53: {  	[sflag:s20] =	ssyncset.done $0x0  }
0x54: {  	[sflag:s20] =	ssyncadd.s32 $0xFFFF0000  }
0x55: {  	_ =	swait.ge [sflag:s20], $0x10000  }
0x56: {  	[sflag:s20] =	ssyncset.done $0x0  }
0x57: {  	[sflag:s20] =	ssyncadd.s32 $0xFFFF0000  }
0x58: {  	_ =	swait.ge [sflag:s20], $0x10000  }
0x59: {  	[sflag:s20] =	ssyncset.done $0x0  }
0x5a: {  	[sflag:s20] =	ssyncadd.s32 $0xFFFF0000  }
0x5b: {  	_ =	swait.ge [sflag:s20], $0x10000  }
0x5c: {  	[sflag:s20] =	ssyncset.done $0x0  }
0x5d: {  	[sflag:s20] =	ssyncadd.s32 $0xFFFF0000  }
0x5e: {  	_ =	swait.ge [sflag:s20], $0x10000  }
0x5f: {  	[sflag:s20] =	ssyncset.done $0x0  }
0x60: {  	[sflag:s20] =	ssyncadd.s32 $0xFFFF0000  }
0x61: {  	_ =	swait.ge [sflag:s20], $0x10000  }
0x62: {  	[sflag:s20] =	ssyncset.done $0x0  }
0x63: {  	[sflag:s20] =	ssyncadd.s32 $0xFFFF0000  }
0x64: {  	_ =	swait.ge [sflag:s20], $0x10000  }
0x65: {  	[sflag:s20] =	ssyncset.done $0x0  }
0x66: {  	s21 =	sadd.s32 $0x1, s21;
	[sflag:s20] =	ssyncadd.s32 $0xFFFF0000  }
0x67: {  	p0 =	sne.s32 s21, s19;
	_ =	swait.ge [sflag:s20], $0x10000  }
.Ltmp1:
0x68: {  	[sflag:s20] =	ssyncset.done $0x0;
	(pc) =	sbr.rel @p0 .LBB2_1-.Ltmp1, $4  }
0x69: {  	[sflag:s20] =	ssyncadd.s32 $0xFFFF0000  }
0x6a: {  	_ =	swait.ge [sflag:s20], $0x10000  }
0x6b: {  	[sflag:s20] =	ssyncset.done $0x0  }
0x6c: {  	[sflag:s20] =	ssyncadd.s32 $0xFFFF0000  }
0x6d: {  	_ =	sfence.sel $0x180000  }
0x6e: {  	[bflag:$0x0] =	sbarrier.arrive $0xFFFF  }
0x6f: {  	p0 =	sne.s32 s1, $0x0;
	_ =	strace $0x90000047  }
0x70: {  	s0 =	sadd.s32 @!p0 $0x100000, s0;
	[bflag:$0x2] =	sbarrier.arrive $0xFFFF  }
0x71: {  	[sflag:s0] =	ssyncadd.tile.s32 @!p0 $0x1;
	_ =	shalt  }
.Lfunc_end2:
_tile_overlayer_lowered:
.L_overlay_start_2:
0x72: {  	(tag) =	ssettag $0x2  }
0x73: {  	s0 =	rddreg [dreg:$0x0];
	s2 =	stileid.u32  }
0x74: {  	s1 =	rddreg [dreg:$0x1];
	p0 =	sne.s32 s2, $0x0  }
0x75: {  	s3 =	rddreg [dreg:$0x2];
	[bflag:$0x3] =	sbarrier.arrive $0xFFFF;
	s2 =	simm.s32 @!p0 $0x1C02  }
0x76: {  	[timem:s3], [sflag:s2] =	dma.local @!p0 [hbm:s0], s1  }
0x77: {  	s0 =	simm.s32 @!p0 $0x2  }
0x78: {  	_ =	swait.ge @!p0 [sflag:s0], s1  }
0x79: {  	s1 =	ssub.s32 @!p0 $0x0, s1;
	[sflag:s0] =	ssyncset.done @!p0 $0x0  }
0x7a: {  	[sflag:s0] =	ssyncadd.s32 @!p0 s1  }
0x7b: {  	[bflag:$0x3] =	sbarrier.arrive $0xFFFF  }
0x7c: {  	_ =	shalt  }

</sc_bundles>
